<compile_context>
chip_gen: v7x
topology: tpu7x:2x2x1
jax: 0.10.2.dev20260603
libtpu: 0.0.44.dev20260713+nightly
codegen_flags: <defaults>
</compile_context>

<pallas_src>
import functools

import jax
import jax.numpy as jnp
from jax import lax
from jax.experimental import pallas as pl
from jax.experimental.pallas import tpu as pltpu
from jax.experimental.pallas import tpu_sc as plsc

_NB = 64
_NH = 4
_S = 2048
_D = 64
_NPROB = 32
_NITEM = _NH * _S
_NG = _NH * _NB
_CW = 32
_QB = 256
_KB = _QB + 64
_PAD = 33 * _QB
_CHUNK = 128
_LANES = 16
_W = 2 * _D



def _hash_body(q_ref, rot_ref, g_ref, hist_ref):
    q = q_ref[0]
    rot = rot_ref[...]
    r = lax.dot_general(q, rot, (((1,), (0,)), ((), ())),
                        preferred_element_type=jnp.float32)
    for h in range(_NH):
        rh = r[:, h * (_NB // 2):(h + 1) * (_NB // 2)]
        both = jnp.concatenate([rh, -rh], axis=1)
        bh = jnp.argmax(both, axis=1).astype(jnp.int32)
        g_ref[0, h, :] = bh + h * _NB
        onehot = (bh[:, None] ==
                  lax.broadcasted_iota(jnp.int32, (_S, _NB), 1))
        hist_ref[0, 0, pl.ds(h * _NB, _NB)] = jnp.sum(
            onehot.astype(jnp.int32), axis=0)


def _hash_tc(q_p, rot2d):
    return pl.pallas_call(
        _hash_body,
        grid=(_NPROB,),
        in_specs=[
            pl.BlockSpec((1, _S, _D), lambda p: (p, 0, 0)),
            pl.BlockSpec((_D, _NH * _NB // 2), lambda p: (0, 0)),
        ],
        out_specs=[
            pl.BlockSpec((1, _NH, _S), lambda p: (p, 0, 0)),
            pl.BlockSpec((1, 1, _NG), lambda p: (p, 0, 0)),
        ],
        out_shape=[
            jax.ShapeDtypeStruct((_NPROB, _NH, _S), jnp.int32),
            jax.ShapeDtypeStruct((_NPROB, 1, _NG), jnp.int32),
        ],
    )(q_p, rot2d)



def _sort_gather_body(g_hbm, hist_hbm, qv_hbm,
                      sqv_hbm, tok_hbm, ipos_hbm,
                      g_v, hist_v, start_v, ipos_v, st_v, idx_v,
                      rows_v, sem):
    p = lax.axis_index("s") * 2 + lax.axis_index("c")
    pltpu.sync_copy(g_hbm.at[pl.ds(p * _NITEM, _NITEM)], g_v)
    pltpu.sync_copy(hist_hbm.at[pl.ds(p * _NG, _NG)], hist_v)

    carry = jnp.int32(0)
    for bi in range(_NG // _LANES):
        h16 = hist_v[pl.ds(bi * _LANES, _LANES)]
        inc = plsc.cumsum(h16)
        start_v[pl.ds(bi * _LANES, _LANES)] = inc - h16 + carry
        carry = carry + inc[_LANES - 1]

    lane = lax.iota(jnp.int32, _LANES)

    def sort_step(i, _):
        g16 = g_v[pl.ds(i * _LANES, _LANES)]
        item = i * _LANES + lane
        skey, sitem = plsc.sort_key_val(g16 * _LANES + lane, item)
        gs = skey >> 4
        gprev = gs.at[jnp.maximum(lane - 1, 0)].get(mode="promise_in_bounds")
        run_start = (gs != gprev) | (lane == 0)
        rank = lane - plsc.cummax(jnp.where(run_start, lane, 0))
        c = plsc.load_gather(start_v, [gs])
        pos = c + rank
        plsc.store_scatter(ipos_v, [sitem], pos)
        plsc.store_scatter(st_v, [pos], sitem & (_S - 1))
        gnext = gs.at[jnp.minimum(lane + 1, _LANES - 1)].get(
            mode="promise_in_bounds")
        last = (gs != gnext) | (lane == _LANES - 1)
        plsc.store_scatter(start_v, [gs], pos + 1, mask=last)
        return 0

    lax.fori_loop(0, _NITEM // _LANES, sort_step, 0)

    pltpu.sync_copy(ipos_v, ipos_hbm.at[pl.ds(p * _NITEM, _NITEM)])

    def gather_rows(src_off, n, dst_off):
        def mk_idx(j, _):
            st16 = st_v[pl.ds(src_off + j * _LANES, _LANES)]
            idx_v[pl.ds(j * _LANES, _LANES)] = p * _S + st16
            return 0
        lax.fori_loop(0, n // _LANES, mk_idx, 0)
        pltpu.async_copy(qv_hbm.at[idx_v.at[pl.ds(0, n)]],
                         rows_v.at[pl.ds(0, n)], sem).wait()
        pltpu.sync_copy(rows_v.at[pl.ds(0, n)],
                        sqv_hbm.at[pl.ds(p * _PAD + dst_off, n)])
        pltpu.sync_copy(st_v.at[pl.ds(src_off, n)],
                        tok_hbm.at[pl.ds(p * _PAD + dst_off, n)])

    def chunk_step(c, _):
        gather_rows(c * _CHUNK, _CHUNK, 32 + c * _CHUNK)
        return 0

    lax.fori_loop(0, _NITEM // _CHUNK, chunk_step, 0)
    gather_rows(_NITEM - 32, 32, 0)
    gather_rows(0, 32, _NITEM + 32)


def _sort_gather_sc(g_flat, hist_flat, qv_tab):
    mesh = plsc.VectorSubcoreMesh(core_axis_name="c", subcore_axis_name="s")
    f = pl.kernel(
        _sort_gather_body,
        mesh=mesh,
        compiler_params=pltpu.CompilerParams(needs_layout_passes=False),
        out_type=[
            jax.ShapeDtypeStruct((_NPROB * _PAD, _W), jnp.float32),
            jax.ShapeDtypeStruct((_NPROB * _PAD,), jnp.int32),
            jax.ShapeDtypeStruct((_NPROB * _NITEM,), jnp.int32),
        ],
        scratch_types=[
            pltpu.VMEM((_NITEM,), jnp.int32),
            pltpu.VMEM((_NG,), jnp.int32),
            pltpu.VMEM((_NG,), jnp.int32),
            pltpu.VMEM((_NITEM,), jnp.int32),
            pltpu.VMEM((_NITEM,), jnp.int32),
            pltpu.VMEM((_CHUNK,), jnp.int32),
            pltpu.VMEM((_CHUNK, _W), jnp.float32),
            pltpu.SemaphoreType.DMA,
        ],
    )
    return f(g_flat, hist_flat, qv_tab)



def _attn_body(bias_ref, a_ref, b_ref, ta_ref, tb_ref, x_ref):
    ab = jnp.concatenate([a_ref[0], b_ref[0]], axis=0)
    k_all = ab[:, :_D]
    v_all = ab[:, _D:]
    t_all = jnp.concatenate([ta_ref[0, 0, 0], tb_ref[0, 0, 0]], axis=0)
    q = k_all[32:32 + _QB] * (1.0 / (_D ** 0.5))
    qt = t_all[32:32 + _QB]

    dots = lax.dot_general(q, k_all, (((1,), (1,)), ((), ())),
                           preferred_element_type=jnp.float32)
    pen = bias_ref[...] - 100000.0 * (
        qt[:, None] == t_all[None, :]).astype(jnp.float32)
    e = jnp.exp(dots + pen)
    ssum = jnp.sum(e, axis=1, keepdims=True)
    x = lax.dot_general(e, v_all, (((1,), (0,)), ((), ())),
                        preferred_element_type=jnp.float32)
    x = x / ssum
    lse_b = jnp.broadcast_to(jnp.log(ssum), (_QB, _D))
    x_ref[0] = jnp.concatenate([x, lse_b], axis=1)


def _attn_tc(sqv_pad, tok_pad):
    tok_a = tok_pad.reshape(_NPROB, _PAD // _QB, 1, _QB)
    tok_b = tok_pad.reshape(_NPROB, _PAD // 64, 1, 64)
    nj = _NITEM // _QB
    r = lax.broadcasted_iota(jnp.int32, (_QB, _KB), 0)
    ccol = lax.broadcasted_iota(jnp.int32, (_QB, _KB), 1)
    lo = (r // _CW) * _CW
    band_bias = jnp.where((ccol >= lo) & (ccol < lo + 3 * _CW),
                          0.0, -1e30).astype(jnp.float32)
    return pl.pallas_call(
        _attn_body,
        grid=(_NPROB, nj),
        in_specs=[
            pl.BlockSpec((_QB, _KB), lambda p, j: (0, 0)),
            pl.BlockSpec((1, _QB, _W), lambda p, j: (p, j, 0)),
            pl.BlockSpec((1, 64, _W), lambda p, j: (p, 4 * j + 4, 0)),
            pl.BlockSpec((1, 1, 1, _QB), lambda p, j: (p, j, 0, 0)),
            pl.BlockSpec((1, 1, 1, 64), lambda p, j: (p, 4 * j + 4, 0, 0)),
        ],
        out_specs=pl.BlockSpec((1, _QB, _W), lambda p, j: (p, j, 0)),
        out_shape=jax.ShapeDtypeStruct((_NPROB, _NITEM, _W), jnp.float32),
    )(band_bias, sqv_pad, sqv_pad, tok_a, tok_b)



def _unsort_body(xtab_hbm, ipos_hbm, o_hbm, ipos_v, idx_v, rows_v, sem):
    p = lax.axis_index("s") * 2 + lax.axis_index("c")
    pltpu.sync_copy(ipos_hbm.at[pl.ds(p * _NITEM, _NITEM)], ipos_v)

    def chunk_step(c, _):
        base = c * _CHUNK

        def mk_idx(j, _):
            pos16 = ipos_v[pl.ds(base + j * _LANES, _LANES)]
            idx_v[pl.ds(j * _LANES, _LANES)] = p * _NITEM + pos16
            return 0

        lax.fori_loop(0, _CHUNK // _LANES, mk_idx, 0)
        pltpu.async_copy(xtab_hbm.at[idx_v], rows_v, sem).wait()
        pltpu.sync_copy(rows_v, o_hbm.at[pl.ds(p * _NITEM + base, _CHUNK)])
        return 0

    lax.fori_loop(0, _NITEM // _CHUNK, chunk_step, 0)


def _unsort_sc(xtab, ipos):
    mesh = plsc.VectorSubcoreMesh(core_axis_name="c", subcore_axis_name="s")
    f = pl.kernel(
        _unsort_body,
        mesh=mesh,
        compiler_params=pltpu.CompilerParams(needs_layout_passes=False),
        out_type=jax.ShapeDtypeStruct((_NPROB * _NITEM, _W), jnp.float32),
        scratch_types=[
            pltpu.VMEM((_NITEM,), jnp.int32),
            pltpu.VMEM((_CHUNK,), jnp.int32),
            pltpu.VMEM((_CHUNK, _W), jnp.float32),
            pltpu.SemaphoreType.DMA,
        ],
    )
    return f(xtab, ipos)



def _combine_body(o_ref, out_ref):
    blk = o_ref[0]
    o = blk[:, :, :_D]
    lgb = blk[:, :, _D:]
    m = jnp.max(lgb, axis=0, keepdims=True)
    e = jnp.exp(lgb - m)
    w = e / jnp.sum(e, axis=0, keepdims=True)
    out_ref[0] = jnp.sum(w * o, axis=0)


def _combine_tc(o_ext):
    o4 = o_ext.reshape(_NPROB, _NH, _S, _W)
    return pl.pallas_call(
        _combine_body,
        grid=(_NPROB, _S // 1024),
        in_specs=[
            pl.BlockSpec((1, _NH, 1024, _W), lambda p, t: (p, 0, t, 0)),
        ],
        out_specs=pl.BlockSpec((1, 1024, _D), lambda p, t: (p, t, 0)),
        out_shape=jax.ShapeDtypeStruct((_NPROB, _S, _D), jnp.float32),
    )(o4)



def kernel(query, key, value, rotations):
    del key
    B, S, H, D = query.shape
    q_p = query.transpose(0, 2, 1, 3).reshape(_NPROB, _S, _D)
    v_p = value.transpose(0, 2, 1, 3).reshape(_NPROB, _S, _D)
    qv_tab = jnp.concatenate([q_p, v_p], axis=-1).reshape(_NPROB * _S, _W)
    rot2d = rotations.reshape(_D, _NH * (_NB // 2))

    g, hist = _hash_tc(q_p, rot2d)
    sqv_flat, tok_flat, ipos = _sort_gather_sc(
        g.reshape(-1), hist.reshape(-1), qv_tab)
    x_ext = _attn_tc(sqv_flat.reshape(_NPROB, _PAD, _W),
                     tok_flat.reshape(_NPROB, _PAD))
    o_ext = _unsort_sc(x_ext.reshape(_NPROB * _NITEM, _W), ipos)
    out_p = _combine_tc(o_ext)
    return out_p.reshape(B, H, S, D).transpose(0, 2, 1, 3)

# --- scband reference (transcript-rebuilt; emitter-appended) ---
"""Pipeline reference for scband-lshattention-51479478010632 (READ-ONLY COPY).

The authoritative reference and input builder live on the scoring server;
editing this copy changes nothing except your own understanding.
"""

import jax, jax.numpy as jnp
import numpy as np
from jax.scipy.special import logsumexp

N_BUCKETS = 64
N_HASHES = 4


def _look_one_back_and_ahead(x):
    xlb = jnp.concatenate([x[-1:], x[:-1]], axis=0)
    xla = jnp.concatenate([x[1:], x[:1]], axis=0)
    return jnp.concatenate([x, xlb, xla], axis=1)


def _hash_vectors(vecs, rotations):
    rotated = jnp.einsum('tf,fhi->hti', vecs, rotations)
    rotated = jnp.concatenate([rotated, -rotated], axis=-1)
    buckets = jnp.argmax(rotated, axis=-1)
    offsets = (jnp.arange(N_HASHES) * N_BUCKETS)[:, None]
    return jnp.reshape(buckets + offsets, (-1,))


def _lsh_single_head(query, key, value, rotations):
    qdim = query.shape[-1]
    vdim = value.shape[-1]
    seqlen = query.shape[0]
    chunk_size = N_HASHES * N_BUCKETS
    buckets = _hash_vectors(jax.lax.stop_gradient(query), rotations)
    ticker = jnp.arange(N_HASHES * seqlen)
    buckets_and_t = seqlen * buckets + ticker % seqlen
    buckets_and_t = jax.lax.stop_gradient(buckets_and_t)
    _, sticker = jax.lax.sort_key_val(buckets_and_t, ticker, dimension=-1)
    _, undo_sort = jax.lax.sort_key_val(sticker, ticker, dimension=-1)
    sticker = jax.lax.stop_gradient(sticker)
    undo_sort = jax.lax.stop_gradient(undo_sort)
    st = sticker % seqlen
    sqk = jnp.take(query, st, axis=0)
    sv = jnp.take(value, st, axis=0)
    bq = jnp.reshape(sqk, (chunk_size, -1, qdim))
    bk = bq
    bv = jnp.reshape(sv, (chunk_size, -1, vdim))
    bk = _look_one_back_and_ahead(bk)
    bv = _look_one_back_and_ahead(bv)
    dots = jnp.einsum('hie,hje->hij', bq, bk) / qdim ** 0.5
    # self-attention exclusion mask (shared-QK attention)
    q_info = jnp.arange(seqlen, dtype=jnp.int32) + 1
    q_info = jnp.reshape(jnp.take(q_info, st, axis=0), (chunk_size, -1))
    k_info = jnp.arange(key.shape[0], dtype=jnp.int32) + 1
    k_info = jnp.reshape(jnp.take(k_info, st, axis=0), (chunk_size, -1))
    k_info = _look_one_back_and_ahead(k_info)
    self_mask = (q_info[:, :, None] == k_info[:, None, :]).astype(jnp.float32)
    dots = dots - 100000.0 * self_mask
    dots_logsumexp = logsumexp(dots, axis=-1, keepdims=True)
    slogits = jnp.reshape(dots_logsumexp, (-1,))
    dots = jnp.exp(dots - dots_logsumexp)
    x = jnp.matmul(dots, bv)
    x = jnp.reshape(x, (-1, qdim))
    # undo the bucket-sort permutation
    o = jnp.take(x, undo_sort, axis=0)
    o = jnp.reshape(o, (N_HASHES, seqlen, qdim))
    _, logits = jax.lax.sort_key_val(sticker, slogits, dimension=-1)
    logits = jnp.reshape(logits, (N_HASHES, seqlen, 1))
    probs = jnp.exp(logits - logsumexp(logits, axis=0, keepdims=True))
    return jnp.sum(o * probs, axis=0)


def _forward(query, key, value, rotations):
    per_batch = jax.vmap(_lsh_single_head, in_axes=(1, 1, 1, None), out_axes=1)
    full = jax.vmap(per_batch, in_axes=(0, 0, 0, None), out_axes=0)
    return full(query, key, value, rotations)


def setup_inputs(seed: int = 0) -> dict:
    key = jax.random.key(seed)
    k1, k2, k3, k4 = jax.random.split(key, 4)
    B, S, H, D = 2, 2048, 16, 64
    return {
        'query': jax.random.normal(k1, (B, S, H, D), dtype=jnp.float32),
        'key': jax.random.normal(k2, (B, S, H, D), dtype=jnp.float32),
        'value': jax.random.normal(k3, (B, S, H, D), dtype=jnp.float32),
        'rotations': jax.random.normal(k4, (D, N_HASHES, N_BUCKETS // 2), dtype=jnp.float32),
    }


def reference(query, key, value, rotations):
    return _forward(query, key, value, rotations)

if __name__ == "__main__":
    import jax
    _d = setup_inputs()
    print(jax.jit(kernel)(*tuple(_d.values())))

</pallas_src>

<mosaic_0001>
#map = affine_map<(d0, d1) -> (0)>
#map1 = affine_map<(d0, d1) -> (0, 0)>
module attributes {stable_mosaic.version = 14 : i64} {
  func.func @_sort_gather_body(%arg0: i32, %arg1: i32, %arg2: memref<262144xi32, #tpu.memory_space<hbm>>, %arg3: memref<8192xi32, #tpu.memory_space<hbm>>, %arg4: memref<65536x128xf32, #tpu.memory_space<hbm>>, %arg5: memref<270336x128xf32, #tpu.memory_space<hbm>>, %arg6: memref<270336xi32, #tpu.memory_space<hbm>>, %arg7: memref<262144xi32, #tpu.memory_space<hbm>>, %arg8: memref<8192xi32, #tpu.memory_space<vmem>>, %arg9: memref<256xi32, #tpu.memory_space<vmem>>, %arg10: memref<256xi32, #tpu.memory_space<vmem>>, %arg11: memref<8192xi32, #tpu.memory_space<vmem>>, %arg12: memref<8192xi32, #tpu.memory_space<vmem>>, %arg13: memref<128xi32, #tpu.memory_space<vmem>>, %arg14: memref<128x128xf32, #tpu.memory_space<vmem>>, %arg15: memref<!tpu.dma_semaphore, #tpu.memory_space<semaphore_mem>>) attributes {dimension_semantics = [#tpu.dimension_semantics<core_parallel>, #tpu.dimension_semantics<subcore_parallel>], iteration_bounds = array<i64: 2, 16>, scalar_prefetch = 0 : i64, scratch_operands = 8 : i64, tpu.core_type = #tpu.core_type<sc_vector_subcore>, window_params = [{transform_indices = #map}, {transform_indices = #map}, {transform_indices = #map1}, {transform_indices = #map1}, {transform_indices = #map}, {transform_indices = #map}]} {
    %mul3A = arith.constant 2 : i32
    %mul3A_0 = arith.muli %arg1, %mul3A : i32
    %add3A = arith.addi %mul3A_0, %arg0 : i32
    %mul3A_1 = arith.constant 8192 : i32
    %mul3A_2 = arith.muli %add3A, %mul3A_1 : i32
    "tpu.region"() ({
      %run_scoped3A = tpu.sem_alloc : memref<!tpu.dma_semaphore, #tpu.memory_space<semaphore_mem>>
      %dma_start3A_283 = tpu.memref_slice %arg2[%mul3A_2] : memref<262144xi32, #tpu.memory_space<hbm>> -> memref<8192xi32, #tpu.memory_space<hbm>>
      %dma_start3A_284 = tpu.memref_slice %arg2[%mul3A_2] : memref<262144xi32, #tpu.memory_space<hbm>> -> memref<8192xi32, #tpu.memory_space<hbm>>
      tpu.enqueue_dma source(%dma_start3A_284 : memref<8192xi32, #tpu.memory_space<hbm>>) target(%arg8 : memref<8192xi32, #tpu.memory_space<vmem>>) target_semaphore(%run_scoped3A : memref<!tpu.dma_semaphore, #tpu.memory_space<semaphore_mem>>)
      %dma_wait3A_285 = tpu.memref_slice %arg2[%mul3A_2] : memref<262144xi32, #tpu.memory_space<hbm>> -> memref<8192xi32, #tpu.memory_space<hbm>>
      %dma_wait3A_286 = tpu.memref_slice %arg2[%mul3A_2] : memref<262144xi32, #tpu.memory_space<hbm>> -> memref<8192xi32, #tpu.memory_space<hbm>>
      tpu.wait_dma2 semaphore(%run_scoped3A : memref<!tpu.dma_semaphore, #tpu.memory_space<semaphore_mem>>) src(%dma_wait3A_286 : memref<8192xi32, #tpu.memory_space<hbm>>) dst(%arg8 : memref<8192xi32, #tpu.memory_space<vmem>>)
      tpu.yield
    }) : () -> ()
    %mul3A_3 = arith.constant 256 : i32
    %mul3A_4 = arith.muli %add3A, %mul3A_3 : i32
    "tpu.region"() ({
      %run_scoped3A = tpu.sem_alloc : memref<!tpu.dma_semaphore, #tpu.memory_space<semaphore_mem>>
      %dma_start3A_283 = tpu.memref_slice %arg3[%mul3A_4] : memref<8192xi32, #tpu.memory_space<hbm>> -> memref<256xi32, #tpu.memory_space<hbm>>
      %dma_start3A_284 = tpu.memref_slice %arg3[%mul3A_4] : memref<8192xi32, #tpu.memory_space<hbm>> -> memref<256xi32, #tpu.memory_space<hbm>>
      tpu.enqueue_dma source(%dma_start3A_284 : memref<256xi32, #tpu.memory_space<hbm>>) target(%arg9 : memref<256xi32, #tpu.memory_space<vmem>>) target_semaphore(%run_scoped3A : memref<!tpu.dma_semaphore, #tpu.memory_space<semaphore_mem>>)
      %dma_wait3A_285 = tpu.memref_slice %arg3[%mul3A_4] : memref<8192xi32, #tpu.memory_space<hbm>> -> memref<256xi32, #tpu.memory_space<hbm>>
      %dma_wait3A_286 = tpu.memref_slice %arg3[%mul3A_4] : memref<8192xi32, #tpu.memory_space<hbm>> -> memref<256xi32, #tpu.memory_space<hbm>>
      tpu.wait_dma2 semaphore(%run_scoped3A : memref<!tpu.dma_semaphore, #tpu.memory_space<semaphore_mem>>) src(%dma_wait3A_286 : memref<256xi32, #tpu.memory_space<hbm>>) dst(%arg9 : memref<256xi32, #tpu.memory_space<vmem>>)
      tpu.yield
    }) : () -> ()
    %get3A = arith.constant 0 : index
    %get3A_5 = tpu.vector_load %arg9[%get3A] {strides = array<i32>} : memref<256xi32, #tpu.memory_space<vmem>>, vector<16xi32>,
    %broadcast_in_dim3A = arith.constant true
    %broadcast_in_dim3A_6 = vector.broadcast %broadcast_in_dim3A : i1 to vector<16xi1>
    %masked_cumsum3A = tpu.scan <sum>, %get3A_5 masked %broadcast_in_dim3A_6 : vector<16xi32>, vector<16xi1> -> vector<16xi32>
    %sub3A = arith.subi %masked_cumsum3A, %get3A_5 : vector<16xi32>
    %add3A_7 = arith.constant 0 : i32
    %add3A_8 = vector.broadcast %add3A_7 : i32 to vector<16xi32>
    %add3A_9 = arith.addi %sub3A, %add3A_8 : vector<16xi32>
    %swap3A = arith.constant 0 : index
    %swap3A_10 = tpu.vector_load %arg10[%swap3A] {strides = array<i32>} : memref<256xi32, #tpu.memory_space<vmem>>, vector<16xi32>,
    tpu.vector_store %arg10[%swap3A], %add3A_9 {strides = array<i32>} : memref<256xi32, #tpu.memory_space<vmem>>, vector<16xi32>,
    %slice3A = vector.extract_strided_slice %masked_cumsum3A {offsets = [15], sizes = [1], strides = [1]} : vector<16xi32> to vector<1xi32>
    %squeeze3A = vector.extract %slice3A[0] : i32 from vector<1xi32>
    %add3A_11 = arith.constant 0 : i32
    %add3A_12 = arith.addi %add3A_11, %squeeze3A : i32
    %get3A_13 = arith.constant 16 : index
    %get3A_14 = tpu.vector_load %arg9[%get3A_13] {strides = array<i32>} : memref<256xi32, #tpu.memory_space<vmem>>, vector<16xi32>,
    %broadcast_in_dim3A_15 = arith.constant true
    %broadcast_in_dim3A_16 = vector.broadcast %broadcast_in_dim3A_15 : i1 to vector<16xi1>
    %masked_cumsum3A_17 = tpu.scan <sum>, %get3A_14 masked %broadcast_in_dim3A_16 : vector<16xi32>, vector<16xi1> -> vector<16xi32>
    %sub3A_18 = arith.subi %masked_cumsum3A_17, %get3A_14 : vector<16xi32>
    %add3A_19 = vector.broadcast %add3A_12 : i32 to vector<16xi32>
    %add3A_20 = arith.addi %sub3A_18, %add3A_19 : vector<16xi32>
    %swap3A_21 = arith.constant 16 : index
    %swap3A_22 = tpu.vector_load %arg10[%swap3A_21] {strides = array<i32>} : memref<256xi32, #tpu.memory_space<vmem>>, vector<16xi32>,
    tpu.vector_store %arg10[%swap3A_21], %add3A_20 {strides = array<i32>} : memref<256xi32, #tpu.memory_space<vmem>>, vector<16xi32>,
    %slice3A_23 = vector.extract_strided_slice %masked_cumsum3A_17 {offsets = [15], sizes = [1], strides = [1]} : vector<16xi32> to vector<1xi32>
    %squeeze3A_24 = vector.extract %slice3A_23[0] : i32 from vector<1xi32>
    %add3A_25 = arith.addi %add3A_12, %squeeze3A_24 : i32
    %get3A_26 = arith.constant 32 : index
    %get3A_27 = tpu.vector_load %arg9[%get3A_26] {strides = array<i32>} : memref<256xi32, #tpu.memory_space<vmem>>, vector<16xi32>,
    %broadcast_in_dim3A_28 = arith.constant true
    %broadcast_in_dim3A_29 = vector.broadcast %broadcast_in_dim3A_28 : i1 to vector<16xi1>
    %masked_cumsum3A_30 = tpu.scan <sum>, %get3A_27 masked %broadcast_in_dim3A_29 : vector<16xi32>, vector<16xi1> -> vector<16xi32>
    %sub3A_31 = arith.subi %masked_cumsum3A_30, %get3A_27 : vector<16xi32>
    %add3A_32 = vector.broadcast %add3A_25 : i32 to vector<16xi32>
    %add3A_33 = arith.addi %sub3A_31, %add3A_32 : vector<16xi32>
    %swap3A_34 = arith.constant 32 : index
    %swap3A_35 = tpu.vector_load %arg10[%swap3A_34] {strides = array<i32>} : memref<256xi32, #tpu.memory_space<vmem>>, vector<16xi32>,
    tpu.vector_store %arg10[%swap3A_34], %add3A_33 {strides = array<i32>} : memref<256xi32, #tpu.memory_space<vmem>>, vector<16xi32>,
    %slice3A_36 = vector.extract_strided_slice %masked_cumsum3A_30 {offsets = [15], sizes = [1], strides = [1]} : vector<16xi32> to vector<1xi32>
    %squeeze3A_37 = vector.extract %slice3A_36[0] : i32 from vector<1xi32>
    %add3A_38 = arith.addi %add3A_25, %squeeze3A_37 : i32
    %get3A_39 = arith.constant 48 : index
    %get3A_40 = tpu.vector_load %arg9[%get3A_39] {strides = array<i32>} : memref<256xi32, #tpu.memory_space<vmem>>, vector<16xi32>,
    %broadcast_in_dim3A_41 = arith.constant true
    %broadcast_in_dim3A_42 = vector.broadcast %broadcast_in_dim3A_41 : i1 to vector<16xi1>
    %masked_cumsum3A_43 = tpu.scan <sum>, %get3A_40 masked %broadcast_in_dim3A_42 : vector<16xi32>, vector<16xi1> -> vector<16xi32>
    %sub3A_44 = arith.subi %masked_cumsum3A_43, %get3A_40 : vector<16xi32>
    %add3A_45 = vector.broadcast %add3A_38 : i32 to vector<16xi32>
    %add3A_46 = arith.addi %sub3A_44, %add3A_45 : vector<16xi32>
    %swap3A_47 = arith.constant 48 : index
    %swap3A_48 = tpu.vector_load %arg10[%swap3A_47] {strides = array<i32>} : memref<256xi32, #tpu.memory_space<vmem>>, vector<16xi32>,
    tpu.vector_store %arg10[%swap3A_47], %add3A_46 {strides = array<i32>} : memref<256xi32, #tpu.memory_space<vmem>>, vector<16xi32>,
    %slice3A_49 = vector.extract_strided_slice %masked_cumsum3A_43 {offsets = [15], sizes = [1], strides = [1]} : vector<16xi32> to vector<1xi32>
    %squeeze3A_50 = vector.extract %slice3A_49[0] : i32 from vector<1xi32>
    %add3A_51 = arith.addi %add3A_38, %squeeze3A_50 : i32
    %get3A_52 = arith.constant 64 : index
    %get3A_53 = tpu.vector_load %arg9[%get3A_52] {strides = array<i32>} : memref<256xi32, #tpu.memory_space<vmem>>, vector<16xi32>,
    %broadcast_in_dim3A_54 = arith.constant true
    %broadcast_in_dim3A_55 = vector.broadcast %broadcast_in_dim3A_54 : i1 to vector<16xi1>
    %masked_cumsum3A_56 = tpu.scan <sum>, %get3A_53 masked %broadcast_in_dim3A_55 : vector<16xi32>, vector<16xi1> -> vector<16xi32>
    %sub3A_57 = arith.subi %masked_cumsum3A_56, %get3A_53 : vector<16xi32>
    %add3A_58 = vector.broadcast %add3A_51 : i32 to vector<16xi32>
    %add3A_59 = arith.addi %sub3A_57, %add3A_58 : vector<16xi32>
    %swap3A_60 = arith.constant 64 : index
    %swap3A_61 = tpu.vector_load %arg10[%swap3A_60] {strides = array<i32>} : memref<256xi32, #tpu.memory_space<vmem>>, vector<16xi32>,
    tpu.vector_store %arg10[%swap3A_60], %add3A_59 {strides = array<i32>} : memref<256xi32, #tpu.memory_space<vmem>>, vector<16xi32>,
    %slice3A_62 = vector.extract_strided_slice %masked_cumsum3A_56 {offsets = [15], sizes = [1], strides = [1]} : vector<16xi32> to vector<1xi32>
    %squeeze3A_63 = vector.extract %slice3A_62[0] : i32 from vector<1xi32>
    %add3A_64 = arith.addi %add3A_51, %squeeze3A_63 : i32
    %get3A_65 = arith.constant 80 : index
    %get3A_66 = tpu.vector_load %arg9[%get3A_65] {strides = array<i32>} : memref<256xi32, #tpu.memory_space<vmem>>, vector<16xi32>,
    %broadcast_in_dim3A_67 = arith.constant true
    %broadcast_in_dim3A_68 = vector.broadcast %broadcast_in_dim3A_67 : i1 to vector<16xi1>
    %masked_cumsum3A_69 = tpu.scan <sum>, %get3A_66 masked %broadcast_in_dim3A_68 : vector<16xi32>, vector<16xi1> -> vector<16xi32>
    %sub3A_70 = arith.subi %masked_cumsum3A_69, %get3A_66 : vector<16xi32>
    %add3A_71 = vector.broadcast %add3A_64 : i32 to vector<16xi32>
    %add3A_72 = arith.addi %sub3A_70, %add3A_71 : vector<16xi32>
    %swap3A_73 = arith.constant 80 : index
    %swap3A_74 = tpu.vector_load %arg10[%swap3A_73] {strides = array<i32>} : memref<256xi32, #tpu.memory_space<vmem>>, vector<16xi32>,
    tpu.vector_store %arg10[%swap3A_73], %add3A_72 {strides = array<i32>} : memref<256xi32, #tpu.memory_space<vmem>>, vector<16xi32>,
    %slice3A_75 = vector.extract_strided_slice %masked_cumsum3A_69 {offsets = [15], sizes = [1], strides = [1]} : vector<16xi32> to vector<1xi32>
    %squeeze3A_76 = vector.extract %slice3A_75[0] : i32 from vector<1xi32>
    %add3A_77 = arith.addi %add3A_64, %squeeze3A_76 : i32
    %get3A_78 = arith.constant 96 : index
    %get3A_79 = tpu.vector_load %arg9[%get3A_78] {strides = array<i32>} : memref<256xi32, #tpu.memory_space<vmem>>, vector<16xi32>,
    %broadcast_in_dim3A_80 = arith.constant true
    %broadcast_in_dim3A_81 = vector.broadcast %broadcast_in_dim3A_80 : i1 to vector<16xi1>
    %masked_cumsum3A_82 = tpu.scan <sum>, %get3A_79 masked %broadcast_in_dim3A_81 : vector<16xi32>, vector<16xi1> -> vector<16xi32>
    %sub3A_83 = arith.subi %masked_cumsum3A_82, %get3A_79 : vector<16xi32>
    %add3A_84 = vector.broadcast %add3A_77 : i32 to vector<16xi32>
    %add3A_85 = arith.addi %sub3A_83, %add3A_84 : vector<16xi32>
    %swap3A_86 = arith.constant 96 : index
    %swap3A_87 = tpu.vector_load %arg10[%swap3A_86] {strides = array<i32>} : memref<256xi32, #tpu.memory_space<vmem>>, vector<16xi32>,
    tpu.vector_store %arg10[%swap3A_86], %add3A_85 {strides = array<i32>} : memref<256xi32, #tpu.memory_space<vmem>>, vector<16xi32>,
    %slice3A_88 = vector.extract_strided_slice %masked_cumsum3A_82 {offsets = [15], sizes = [1], strides = [1]} : vector<16xi32> to vector<1xi32>
    %squeeze3A_89 = vector.extract %slice3A_88[0] : i32 from vector<1xi32>
    %add3A_90 = arith.addi %add3A_77, %squeeze3A_89 : i32
    %get3A_91 = arith.constant 112 : index
    %get3A_92 = tpu.vector_load %arg9[%get3A_91] {strides = array<i32>} : memref<256xi32, #tpu.memory_space<vmem>>, vector<16xi32>,
    %broadcast_in_dim3A_93 = arith.constant true
    %broadcast_in_dim3A_94 = vector.broadcast %broadcast_in_dim3A_93 : i1 to vector<16xi1>
    %masked_cumsum3A_95 = tpu.scan <sum>, %get3A_92 masked %broadcast_in_dim3A_94 : vector<16xi32>, vector<16xi1> -> vector<16xi32>
    %sub3A_96 = arith.subi %masked_cumsum3A_95, %get3A_92 : vector<16xi32>
    %add3A_97 = vector.broadcast %add3A_90 : i32 to vector<16xi32>
    %add3A_98 = arith.addi %sub3A_96, %add3A_97 : vector<16xi32>
    %swap3A_99 = arith.constant 112 : index
    %swap3A_100 = tpu.vector_load %arg10[%swap3A_99] {strides = array<i32>} : memref<256xi32, #tpu.memory_space<vmem>>, vector<16xi32>,
    tpu.vector_store %arg10[%swap3A_99], %add3A_98 {strides = array<i32>} : memref<256xi32, #tpu.memory_space<vmem>>, vector<16xi32>,
    %slice3A_101 = vector.extract_strided_slice %masked_cumsum3A_95 {offsets = [15], sizes = [1], strides = [1]} : vector<16xi32> to vector<1xi32>
    %squeeze3A_102 = vector.extract %slice3A_101[0] : i32 from vector<1xi32>
    %add3A_103 = arith.addi %add3A_90, %squeeze3A_102 : i32
    %get3A_104 = arith.constant 128 : index
    %get3A_105 = tpu.vector_load %arg9[%get3A_104] {strides = array<i32>} : memref<256xi32, #tpu.memory_space<vmem>>, vector<16xi32>,
    %broadcast_in_dim3A_106 = arith.constant true
    %broadcast_in_dim3A_107 = vector.broadcast %broadcast_in_dim3A_106 : i1 to vector<16xi1>
    %masked_cumsum3A_108 = tpu.scan <sum>, %get3A_105 masked %broadcast_in_dim3A_107 : vector<16xi32>, vector<16xi1> -> vector<16xi32>
    %sub3A_109 = arith.subi %masked_cumsum3A_108, %get3A_105 : vector<16xi32>
    %add3A_110 = vector.broadcast %add3A_103 : i32 to vector<16xi32>
    %add3A_111 = arith.addi %sub3A_109, %add3A_110 : vector<16xi32>
    %swap3A_112 = arith.constant 128 : index
    %swap3A_113 = tpu.vector_load %arg10[%swap3A_112] {strides = array<i32>} : memref<256xi32, #tpu.memory_space<vmem>>, vector<16xi32>,
    tpu.vector_store %arg10[%swap3A_112], %add3A_111 {strides = array<i32>} : memref<256xi32, #tpu.memory_space<vmem>>, vector<16xi32>,
    %slice3A_114 = vector.extract_strided_slice %masked_cumsum3A_108 {offsets = [15], sizes = [1], strides = [1]} : vector<16xi32> to vector<1xi32>
    %squeeze3A_115 = vector.extract %slice3A_114[0] : i32 from vector<1xi32>
    %add3A_116 = arith.addi %add3A_103, %squeeze3A_115 : i32
    %get3A_117 = arith.constant 144 : index
    %get3A_118 = tpu.vector_load %arg9[%get3A_117] {strides = array<i32>} : memref<256xi32, #tpu.memory_space<vmem>>, vector<16xi32>,
    %broadcast_in_dim3A_119 = arith.constant true
    %broadcast_in_dim3A_120 = vector.broadcast %broadcast_in_dim3A_119 : i1 to vector<16xi1>
    %masked_cumsum3A_121 = tpu.scan <sum>, %get3A_118 masked %broadcast_in_dim3A_120 : vector<16xi32>, vector<16xi1> -> vector<16xi32>
    %sub3A_122 = arith.subi %masked_cumsum3A_121, %get3A_118 : vector<16xi32>
    %add3A_123 = vector.broadcast %add3A_116 : i32 to vector<16xi32>
    %add3A_124 = arith.addi %sub3A_122, %add3A_123 : vector<16xi32>
    %swap3A_125 = arith.constant 144 : index
    %swap3A_126 = tpu.vector_load %arg10[%swap3A_125] {strides = array<i32>} : memref<256xi32, #tpu.memory_space<vmem>>, vector<16xi32>,
    tpu.vector_store %arg10[%swap3A_125], %add3A_124 {strides = array<i32>} : memref<256xi32, #tpu.memory_space<vmem>>, vector<16xi32>,
    %slice3A_127 = vector.extract_strided_slice %masked_cumsum3A_121 {offsets = [15], sizes = [1], strides = [1]} : vector<16xi32> to vector<1xi32>
    %squeeze3A_128 = vector.extract %slice3A_127[0] : i32 from vector<1xi32>
    %add3A_129 = arith.addi %add3A_116, %squeeze3A_128 : i32
    %get3A_130 = arith.constant 160 : index
    %get3A_131 = tpu.vector_load %arg9[%get3A_130] {strides = array<i32>} : memref<256xi32, #tpu.memory_space<vmem>>, vector<16xi32>,
    %broadcast_in_dim3A_132 = arith.constant true
    %broadcast_in_dim3A_133 = vector.broadcast %broadcast_in_dim3A_132 : i1 to vector<16xi1>
    %masked_cumsum3A_134 = tpu.scan <sum>, %get3A_131 masked %broadcast_in_dim3A_133 : vector<16xi32>, vector<16xi1> -> vector<16xi32>
    %sub3A_135 = arith.subi %masked_cumsum3A_134, %get3A_131 : vector<16xi32>
    %add3A_136 = vector.broadcast %add3A_129 : i32 to vector<16xi32>
    %add3A_137 = arith.addi %sub3A_135, %add3A_136 : vector<16xi32>
    %swap3A_138 = arith.constant 160 : index
    %swap3A_139 = tpu.vector_load %arg10[%swap3A_138] {strides = array<i32>} : memref<256xi32, #tpu.memory_space<vmem>>, vector<16xi32>,
    tpu.vector_store %arg10[%swap3A_138], %add3A_137 {strides = array<i32>} : memref<256xi32, #tpu.memory_space<vmem>>, vector<16xi32>,
    %slice3A_140 = vector.extract_strided_slice %masked_cumsum3A_134 {offsets = [15], sizes = [1], strides = [1]} : vector<16xi32> to vector<1xi32>
    %squeeze3A_141 = vector.extract %slice3A_140[0] : i32 from vector<1xi32>
    %add3A_142 = arith.addi %add3A_129, %squeeze3A_141 : i32
    %get3A_143 = arith.constant 176 : index
    %get3A_144 = tpu.vector_load %arg9[%get3A_143] {strides = array<i32>} : memref<256xi32, #tpu.memory_space<vmem>>, vector<16xi32>,
    %broadcast_in_dim3A_145 = arith.constant true
    %broadcast_in_dim3A_146 = vector.broadcast %broadcast_in_dim3A_145 : i1 to vector<16xi1>
    %masked_cumsum3A_147 = tpu.scan <sum>, %get3A_144 masked %broadcast_in_dim3A_146 : vector<16xi32>, vector<16xi1> -> vector<16xi32>
    %sub3A_148 = arith.subi %masked_cumsum3A_147, %get3A_144 : vector<16xi32>
    %add3A_149 = vector.broadcast %add3A_142 : i32 to vector<16xi32>
    %add3A_150 = arith.addi %sub3A_148, %add3A_149 : vector<16xi32>
    %swap3A_151 = arith.constant 176 : index
    %swap3A_152 = tpu.vector_load %arg10[%swap3A_151] {strides = array<i32>} : memref<256xi32, #tpu.memory_space<vmem>>, vector<16xi32>,
    tpu.vector_store %arg10[%swap3A_151], %add3A_150 {strides = array<i32>} : memref<256xi32, #tpu.memory_space<vmem>>, vector<16xi32>,
    %slice3A_153 = vector.extract_strided_slice %masked_cumsum3A_147 {offsets = [15], sizes = [1], strides = [1]} : vector<16xi32> to vector<1xi32>
    %squeeze3A_154 = vector.extract %slice3A_153[0] : i32 from vector<1xi32>
    %add3A_155 = arith.addi %add3A_142, %squeeze3A_154 : i32
    %get3A_156 = arith.constant 192 : index
    %get3A_157 = tpu.vector_load %arg9[%get3A_156] {strides = array<i32>} : memref<256xi32, #tpu.memory_space<vmem>>, vector<16xi32>,
    %broadcast_in_dim3A_158 = arith.constant true
    %broadcast_in_dim3A_159 = vector.broadcast %broadcast_in_dim3A_158 : i1 to vector<16xi1>
    %masked_cumsum3A_160 = tpu.scan <sum>, %get3A_157 masked %broadcast_in_dim3A_159 : vector<16xi32>, vector<16xi1> -> vector<16xi32>
    %sub3A_161 = arith.subi %masked_cumsum3A_160, %get3A_157 : vector<16xi32>
    %add3A_162 = vector.broadcast %add3A_155 : i32 to vector<16xi32>
    %add3A_163 = arith.addi %sub3A_161, %add3A_162 : vector<16xi32>
    %swap3A_164 = arith.constant 192 : index
    %swap3A_165 = tpu.vector_load %arg10[%swap3A_164] {strides = array<i32>} : memref<256xi32, #tpu.memory_space<vmem>>, vector<16xi32>,
    tpu.vector_store %arg10[%swap3A_164], %add3A_163 {strides = array<i32>} : memref<256xi32, #tpu.memory_space<vmem>>, vector<16xi32>,
    %slice3A_166 = vector.extract_strided_slice %masked_cumsum3A_160 {offsets = [15], sizes = [1], strides = [1]} : vector<16xi32> to vector<1xi32>
    %squeeze3A_167 = vector.extract %slice3A_166[0] : i32 from vector<1xi32>
    %add3A_168 = arith.addi %add3A_155, %squeeze3A_167 : i32
    %get3A_169 = arith.constant 208 : index
    %get3A_170 = tpu.vector_load %arg9[%get3A_169] {strides = array<i32>} : memref<256xi32, #tpu.memory_space<vmem>>, vector<16xi32>,
    %broadcast_in_dim3A_171 = arith.constant true
    %broadcast_in_dim3A_172 = vector.broadcast %broadcast_in_dim3A_171 : i1 to vector<16xi1>
    %masked_cumsum3A_173 = tpu.scan <sum>, %get3A_170 masked %broadcast_in_dim3A_172 : vector<16xi32>, vector<16xi1> -> vector<16xi32>
    %sub3A_174 = arith.subi %masked_cumsum3A_173, %get3A_170 : vector<16xi32>
    %add3A_175 = vector.broadcast %add3A_168 : i32 to vector<16xi32>
    %add3A_176 = arith.addi %sub3A_174, %add3A_175 : vector<16xi32>
    %swap3A_177 = arith.constant 208 : index
    %swap3A_178 = tpu.vector_load %arg10[%swap3A_177] {strides = array<i32>} : memref<256xi32, #tpu.memory_space<vmem>>, vector<16xi32>,
    tpu.vector_store %arg10[%swap3A_177], %add3A_176 {strides = array<i32>} : memref<256xi32, #tpu.memory_space<vmem>>, vector<16xi32>,
    %slice3A_179 = vector.extract_strided_slice %masked_cumsum3A_173 {offsets = [15], sizes = [1], strides = [1]} : vector<16xi32> to vector<1xi32>
    %squeeze3A_180 = vector.extract %slice3A_179[0] : i32 from vector<1xi32>
    %add3A_181 = arith.addi %add3A_168, %squeeze3A_180 : i32
    %get3A_182 = arith.constant 224 : index
    %get3A_183 = tpu.vector_load %arg9[%get3A_182] {strides = array<i32>} : memref<256xi32, #tpu.memory_space<vmem>>, vector<16xi32>,
    %broadcast_in_dim3A_184 = arith.constant true
    %broadcast_in_dim3A_185 = vector.broadcast %broadcast_in_dim3A_184 : i1 to vector<16xi1>
    %masked_cumsum3A_186 = tpu.scan <sum>, %get3A_183 masked %broadcast_in_dim3A_185 : vector<16xi32>, vector<16xi1> -> vector<16xi32>
    %sub3A_187 = arith.subi %masked_cumsum3A_186, %get3A_183 : vector<16xi32>
    %add3A_188 = vector.broadcast %add3A_181 : i32 to vector<16xi32>
    %add3A_189 = arith.addi %sub3A_187, %add3A_188 : vector<16xi32>
    %swap3A_190 = arith.constant 224 : index
    %swap3A_191 = tpu.vector_load %arg10[%swap3A_190] {strides = array<i32>} : memref<256xi32, #tpu.memory_space<vmem>>, vector<16xi32>,
    tpu.vector_store %arg10[%swap3A_190], %add3A_189 {strides = array<i32>} : memref<256xi32, #tpu.memory_space<vmem>>, vector<16xi32>,
    %slice3A_192 = vector.extract_strided_slice %masked_cumsum3A_186 {offsets = [15], sizes = [1], strides = [1]} : vector<16xi32> to vector<1xi32>
    %squeeze3A_193 = vector.extract %slice3A_192[0] : i32 from vector<1xi32>
    %add3A_194 = arith.addi %add3A_181, %squeeze3A_193 : i32
    %get3A_195 = arith.constant 240 : index
    %get3A_196 = tpu.vector_load %arg9[%get3A_195] {strides = array<i32>} : memref<256xi32, #tpu.memory_space<vmem>>, vector<16xi32>,
    %broadcast_in_dim3A_197 = arith.constant true
    %broadcast_in_dim3A_198 = vector.broadcast %broadcast_in_dim3A_197 : i1 to vector<16xi1>
    %masked_cumsum3A_199 = tpu.scan <sum>, %get3A_196 masked %broadcast_in_dim3A_198 : vector<16xi32>, vector<16xi1> -> vector<16xi32>
    %sub3A_200 = arith.subi %masked_cumsum3A_199, %get3A_196 : vector<16xi32>
    %add3A_201 = vector.broadcast %add3A_194 : i32 to vector<16xi32>
    %add3A_202 = arith.addi %sub3A_200, %add3A_201 : vector<16xi32>
    %swap3A_203 = arith.constant 240 : index
    %swap3A_204 = tpu.vector_load %arg10[%swap3A_203] {strides = array<i32>} : memref<256xi32, #tpu.memory_space<vmem>>, vector<16xi32>,
    tpu.vector_store %arg10[%swap3A_203], %add3A_202 {strides = array<i32>} : memref<256xi32, #tpu.memory_space<vmem>>, vector<16xi32>,
    %slice3A_205 = vector.extract_strided_slice %masked_cumsum3A_199 {offsets = [15], sizes = [1], strides = [1]} : vector<16xi32> to vector<1xi32>
    %squeeze3A_206 = vector.extract %slice3A_205[0] : i32 from vector<1xi32>
    %add3A_207 = arith.addi %add3A_194, %squeeze3A_206 : i32
    %iota3A = tpu.iota {dimensions = array<i32: 0>} : vector<16xi32>
    %scan3A = arith.constant 0 : i32
    %scan3A_208 = arith.constant 0 : i32
    %scan3A_209 = arith.constant 512 : i32
    %scan3A_210 = arith.addi %scan3A_208, %scan3A_209 : i32
    %scan3A_211 = arith.constant 1 : i32
    %scan3A_212 = scf.for %scan3A_283 = %scan3A_208 to %scan3A_210 step %scan3A_211 iter_args(%scan3A_284 = %scan3A) -> (i32)  : i32 {
      %mul3A_285 = arith.constant 16 : i32
      %mul3A_286 = arith.muli %scan3A_283, %mul3A_285 : i32
      %get3A_287 = arith.index_cast %mul3A_286 : i32 to index
      %get3A_288 = tpu.vector_load %arg8[%get3A_287] {strides = array<i32>} : memref<8192xi32, #tpu.memory_space<vmem>>, vector<16xi32>,
      %mul3A_289 = arith.constant 16 : i32
      %mul3A_290 = arith.muli %scan3A_283, %mul3A_289 : i32
      %add3A_291 = vector.broadcast %mul3A_290 : i32 to vector<16xi32>
      %add3A_292 = arith.addi %add3A_291, %iota3A : vector<16xi32>
      %mul3A_293 = arith.constant 16 : i32
      %mul3A_294 = vector.broadcast %mul3A_293 : i32 to vector<16xi32>
      %mul3A_295 = arith.muli %get3A_288, %mul3A_294 : vector<16xi32>
      %add3A_296 = arith.addi %mul3A_295, %iota3A : vector<16xi32>
      %masked_sort3A = arith.constant dense<true> : vector<16xi1>
      %masked_sort3A_297 = arith.constant -2147483648 : i32
      %masked_sort3A_298 = vector.broadcast %masked_sort3A_297 : i32 to vector<16xi32>
      %masked_sort3A_299 = arith.xori %add3A_296, %masked_sort3A_298 : vector<16xi32>
      %masked_sort3A_300, %masked_sort3A_301, %masked_sort3A_302 = tpu.sort %masked_sort3A_299, %add3A_292 masked %masked_sort3A : (vector<16xi32>, vector<16xi32>, vector<16xi1>) -> (vector<16xi1>, vector<16xi32>, vector<16xi32>)
      %masked_sort3A_303 = arith.xori %masked_sort3A_301, %masked_sort3A_298 : vector<16xi32>
      %shift_right_arithmetic3A = arith.constant 4 : i32
      %shift_right_arithmetic3A_304 = vector.broadcast %shift_right_arithmetic3A : i32 to vector<16xi32>
      %shift_right_arithmetic3A_305 = arith.shrsi %masked_sort3A_303, %shift_right_arithmetic3A_304 : vector<16xi32>
      %sub3A_306 = arith.constant 1 : i32
      %sub3A_307 = vector.broadcast %sub3A_306 : i32 to vector<16xi32>
      %sub3A_308 = arith.subi %iota3A, %sub3A_307 : vector<16xi32>
      %max3A = arith.constant 0 : i32
      %max3A_309 = vector.broadcast %max3A : i32 to vector<16xi32>
      %max3A_310 = arith.maxsi %sub3A_308, %max3A_309 : vector<16xi32>
      %lt3A = arith.constant 0 : i32
      %lt3A_311 = vector.broadcast %lt3A : i32 to vector<16xi32>
      %lt3A_312 = arith.cmpi slt, %max3A_310, %lt3A_311 : vector<16xi32>
      %add3A_313 = arith.constant 16 : i32
      %add3A_314 = vector.broadcast %add3A_313 : i32 to vector<16xi32>
      %add3A_315 = arith.addi %max3A_310, %add3A_314 : vector<16xi32>
      %select_n3A = arith.select %lt3A_312, %add3A_315, %max3A_310 : vector<16xi1>, vector<16xi32>
      %broadcast_in_dim3A_316 = vector.shape_cast %select_n3A : vector<16xi32> to vector<16x1xi32>
      %gather3A = vector.shape_cast %broadcast_in_dim3A_316 : vector<16x1xi32> to vector<16xi32>
      %gather3A_317 = tpu.dynamic_gather %shift_right_arithmetic3A_305[%gather3A] in [0] : vector<16xi32>, vector<16xi32> -> vector<16xi32>
      %ne3A = arith.cmpi ne, %shift_right_arithmetic3A_305, %gather3A_317 : vector<16xi32>
      %eq3A = arith.constant 0 : i32
      %eq3A_318 = vector.broadcast %eq3A : i32 to vector<16xi32>
      %eq3A_319 = arith.cmpi eq, %iota3A, %eq3A_318 : vector<16xi32>
      %or3A = arith.ori %ne3A, %eq3A_319 : vector<16xi1>
      %jit3A = arith.constant 0 : i32
      %broadcast_in_dim3A_320 = vector.broadcast %jit3A : i32 to vector<16xi32>
      %select_n3A_321 = arith.select %or3A, %iota3A, %broadcast_in_dim3A_320 : vector<16xi1>, vector<16xi32>
      %broadcast_in_dim3A_322 = arith.constant true
      %broadcast_in_dim3A_323 = vector.broadcast %broadcast_in_dim3A_322 : i1 to vector<16xi1>
      %masked_cummax3A = arith.constant -2147483648 : i32
      %masked_cummax3A_324 = vector.broadcast %masked_cummax3A : i32 to vector<16xi32>
      %masked_cummax3A_325 = arith.xori %select_n3A_321, %masked_cummax3A_324 : vector<16xi32>
      %masked_cummax3A_326 = tpu.scan <max>, %masked_cummax3A_325 masked %broadcast_in_dim3A_323 : vector<16xi32>, vector<16xi1> -> vector<16xi32>
      %masked_cummax3A_327 = arith.xori %masked_cummax3A_326, %masked_cummax3A_324 : vector<16xi32>
      %sub3A_328 = arith.subi %iota3A, %masked_cummax3A_327 : vector<16xi32>
      %gather3A_329 = tpu.vector_load_idx %arg10[%shift_right_arithmetic3A_305] : memref<256xi32, #tpu.memory_space<vmem>>[vector<16xi32>], vector<16xi32>,
      %add3A_330 = arith.addi %gather3A_329, %sub3A_328 : vector<16xi32>
      tpu.vector_store_idx %arg11[%masked_sort3A_302], %add3A_330 : memref<8192xi32, #tpu.memory_space<vmem>>[vector<16xi32>], vector<16xi32>,
      %and3A = arith.constant 2047 : i32
      %and3A_331 = vector.broadcast %and3A : i32 to vector<16xi32>
      %and3A_332 = arith.andi %masked_sort3A_302, %and3A_331 : vector<16xi32>
      tpu.vector_store_idx %arg12[%add3A_330], %and3A_332 : memref<8192xi32, #tpu.memory_space<vmem>>[vector<16xi32>], vector<16xi32>,
      %add3A_333 = arith.constant 1 : i32
      %add3A_334 = vector.broadcast %add3A_333 : i32 to vector<16xi32>
      %add3A_335 = arith.addi %iota3A, %add3A_334 : vector<16xi32>
      %min3A = arith.constant 15 : i32
      %min3A_336 = vector.broadcast %min3A : i32 to vector<16xi32>
      %min3A_337 = arith.minsi %add3A_335, %min3A_336 : vector<16xi32>
      %lt3A_338 = arith.constant 0 : i32
      %lt3A_339 = vector.broadcast %lt3A_338 : i32 to vector<16xi32>
      %lt3A_340 = arith.cmpi slt, %min3A_337, %lt3A_339 : vector<16xi32>
      %add3A_341 = arith.constant 16 : i32
      %add3A_342 = vector.broadcast %add3A_341 : i32 to vector<16xi32>
      %add3A_343 = arith.addi %min3A_337, %add3A_342 : vector<16xi32>
      %select_n3A_344 = arith.select %lt3A_340, %add3A_343, %min3A_337 : vector<16xi1>, vector<16xi32>
      %broadcast_in_dim3A_345 = vector.shape_cast %select_n3A_344 : vector<16xi32> to vector<16x1xi32>
      %gather3A_346 = vector.shape_cast %broadcast_in_dim3A_345 : vector<16x1xi32> to vector<16xi32>
      %gather3A_347 = tpu.dynamic_gather %shift_right_arithmetic3A_305[%gather3A_346] in [0] : vector<16xi32>, vector<16xi32> -> vector<16xi32>
      %ne3A_348 = arith.cmpi ne, %shift_right_arithmetic3A_305, %gather3A_347 : vector<16xi32>
      %eq3A_349 = arith.constant 15 : i32
      %eq3A_350 = vector.broadcast %eq3A_349 : i32 to vector<16xi32>
      %eq3A_351 = arith.cmpi eq, %iota3A, %eq3A_350 : vector<16xi32>
      %or3A_352 = arith.ori %ne3A_348, %eq3A_351 : vector<16xi1>
      %add3A_353 = arith.constant 1 : i32
      %add3A_354 = vector.broadcast %add3A_353 : i32 to vector<16xi32>
      %add3A_355 = arith.addi %add3A_330, %add3A_354 : vector<16xi32>
      tpu.vector_store_idx %arg10[%shift_right_arithmetic3A_305], %add3A_355 masked %or3A_352 : memref<256xi32, #tpu.memory_space<vmem>>[vector<16xi32>], vector<16xi32>, vector<16xi1>
      %scan3A_356 = arith.constant 0 : i32
      scf.yield %scan3A_356 : i32
    }
    %scan3A_213 = arith.constant 512 : i32
    %mul3A_214 = arith.constant 8192 : i32
    %mul3A_215 = arith.muli %add3A, %mul3A_214 : i32
    "tpu.region"() ({
      %run_scoped3A = tpu.sem_alloc : memref<!tpu.dma_semaphore, #tpu.memory_space<semaphore_mem>>
      %dma_start3A_283 = tpu.memref_slice %arg7[%mul3A_215] : memref<262144xi32, #tpu.memory_space<hbm>> -> memref<8192xi32, #tpu.memory_space<hbm>>
      %dma_start3A_284 = tpu.memref_slice %arg7[%mul3A_215] : memref<262144xi32, #tpu.memory_space<hbm>> -> memref<8192xi32, #tpu.memory_space<hbm>>
      tpu.enqueue_dma source(%arg11 : memref<8192xi32, #tpu.memory_space<vmem>>) target(%dma_start3A_284 : memref<8192xi32, #tpu.memory_space<hbm>>) target_semaphore(%run_scoped3A : memref<!tpu.dma_semaphore, #tpu.memory_space<semaphore_mem>>)
      %dma_wait3A_285 = tpu.memref_slice %arg7[%mul3A_215] : memref<262144xi32, #tpu.memory_space<hbm>> -> memref<8192xi32, #tpu.memory_space<hbm>>
      %dma_wait3A_286 = tpu.memref_slice %arg7[%mul3A_215] : memref<262144xi32, #tpu.memory_space<hbm>> -> memref<8192xi32, #tpu.memory_space<hbm>>
      tpu.wait_dma2 semaphore(%run_scoped3A : memref<!tpu.dma_semaphore, #tpu.memory_space<semaphore_mem>>) src(%arg11 : memref<8192xi32, #tpu.memory_space<vmem>>) dst(%dma_wait3A_286 : memref<8192xi32, #tpu.memory_space<hbm>>)
      tpu.yield
    }) : () -> ()
    %scan3A_216 = arith.constant 0 : i32
    %scan3A_217 = arith.constant 0 : i32
    %scan3A_218 = arith.constant 64 : i32
    %scan3A_219 = arith.addi %scan3A_217, %scan3A_218 : i32
    %scan3A_220 = arith.constant 1 : i32
    %scan3A_221 = scf.for %scan3A_283 = %scan3A_217 to %scan3A_219 step %scan3A_220 iter_args(%scan3A_284 = %scan3A_216) -> (i32)  : i32 {
      %mul3A_285 = arith.constant 128 : i32
      %mul3A_286 = arith.muli %scan3A_283, %mul3A_285 : i32
      %mul3A_287 = arith.constant 128 : i32
      %mul3A_288 = arith.muli %scan3A_283, %mul3A_287 : i32
      %add3A_289 = arith.constant 32 : i32
      %add3A_290 = arith.addi %add3A_289, %mul3A_288 : i32
      %scan3A_291 = arith.constant 0 : i32
      %scan3A_292 = arith.constant 0 : i32
      %scan3A_293 = arith.constant 8 : i32
      %scan3A_294 = arith.addi %scan3A_292, %scan3A_293 : i32
      %scan3A_295 = arith.constant 1 : i32
      %scan3A_296 = scf.for %scan3A_321 = %scan3A_292 to %scan3A_294 step %scan3A_295 iter_args(%scan3A_322 = %scan3A_291) -> (i32)  : i32 {
        %mul3A_323 = arith.constant 16 : i32
        %mul3A_324 = arith.muli %scan3A_321, %mul3A_323 : i32
        %add3A_325 = arith.addi %mul3A_286, %mul3A_324 : i32
        %get3A_326 = arith.index_cast %add3A_325 : i32 to index
        %get3A_327 = tpu.vector_load %arg12[%get3A_326] {strides = array<i32>} : memref<8192xi32, #tpu.memory_space<vmem>>, vector<16xi32>,
        %mul3A_328 = arith.constant 2048 : i32
        %mul3A_329 = arith.muli %add3A, %mul3A_328 : i32
        %add3A_330 = vector.broadcast %mul3A_329 : i32 to vector<16xi32>
        %add3A_331 = arith.addi %add3A_330, %get3A_327 : vector<16xi32>
        %mul3A_332 = arith.constant 16 : i32
        %mul3A_333 = arith.muli %scan3A_321, %mul3A_332 : i32
        %swap3A_334 = arith.index_cast %mul3A_333 : i32 to index
        %swap3A_335 = tpu.vector_load %arg13[%swap3A_334] {strides = array<i32>} : memref<128xi32, #tpu.memory_space<vmem>>, vector<16xi32>,
        tpu.vector_store %arg13[%swap3A_334], %add3A_331 {strides = array<i32>} : memref<128xi32, #tpu.memory_space<vmem>>, vector<16xi32>,
        %scan3A_336 = arith.constant 0 : i32
        scf.yield %scan3A_336 : i32
      }
      %scan3A_297 = arith.constant 8 : i32
      %dma_start3A_298 = arith.constant 0 : i32
      %dma_start3A_299 = arith.constant 0 : i32
      %dma_start3A_300 = tpu.memref_slice %arg14[%dma_start3A_298, %dma_start3A_299] : memref<128x128xf32, #tpu.memory_space<vmem>> -> memref<128x128xf32, #tpu.memory_space<vmem>>
      %dma_start3A_301 = arith.constant 0 : i32
      %dma_start3A_302 = tpu.memref_slice %arg13[%dma_start3A_301] : memref<128xi32, #tpu.memory_space<vmem>> -> memref<128xi32, #tpu.memory_space<vmem>>
      %dma_start3A_303 = arith.constant 0 : i32
      %dma_start3A_304 = arith.constant 0 : i32
      %dma_start3A_305 = tpu.memref_slice %arg4[%dma_start3A_303, %dma_start3A_304] : memref<65536x128xf32, #tpu.memory_space<hbm>> -> memref<65536x128xf32, #tpu.memory_space<hbm>>
      tpu.enqueue_indirect_dma source(%dma_start3A_305 : memref<65536x128xf32, #tpu.memory_space<hbm>>) target(%dma_start3A_300 : memref<128x128xf32, #tpu.memory_space<vmem>>) offsets(%dma_start3A_302 : memref<128xi32, #tpu.memory_space<vmem>>) semaphore(%arg15 : memref<!tpu.dma_semaphore, #tpu.memory_space<semaphore_mem>>)
      %dma_wait3A_306 = arith.constant 0 : i32
      %dma_wait3A_307 = arith.constant 0 : i32
      %dma_wait3A_308 = tpu.memref_slice %arg14[%dma_wait3A_306, %dma_wait3A_307] : memref<128x128xf32, #tpu.memory_space<vmem>> -> memref<128x128xf32, #tpu.memory_space<vmem>>
      %dma_wait3A_309 = arith.constant 0 : i32
      %dma_wait3A_310 = tpu.memref_slice %arg13[%dma_wait3A_309] : memref<128xi32, #tpu.memory_space<vmem>> -> memref<128xi32, #tpu.memory_space<vmem>>
      %dma_wait3A_311 = arith.constant 0 : i32
      %dma_wait3A_312 = arith.constant 0 : i32
      %dma_wait3A_313 = tpu.memref_slice %arg4[%dma_wait3A_311, %dma_wait3A_312] : memref<65536x128xf32, #tpu.memory_space<hbm>> -> memref<65536x128xf32, #tpu.memory_space<hbm>>
      tpu.wait_indirect_dma semaphore(%arg15 : memref<!tpu.dma_semaphore, #tpu.memory_space<semaphore_mem>>) src(%dma_wait3A_313 : memref<65536x128xf32, #tpu.memory_space<hbm>>) dst(%dma_wait3A_308 : memref<128x128xf32, #tpu.memory_space<vmem>>)
      %mul3A_314 = arith.constant 8448 : i32
      %mul3A_315 = arith.muli %add3A, %mul3A_314 : i32
      %add3A_316 = arith.addi %mul3A_315, %add3A_290 : i32
      "tpu.region"() ({
        %run_scoped3A = tpu.sem_alloc : memref<!tpu.dma_semaphore, #tpu.memory_space<semaphore_mem>>
        %dma_start3A_321 = arith.constant 0 : i32
        %dma_start3A_322 = arith.constant 0 : i32
        %dma_start3A_323 = tpu.memref_slice %arg14[%dma_start3A_321, %dma_start3A_322] : memref<128x128xf32, #tpu.memory_space<vmem>> -> memref<128x128xf32, #tpu.memory_space<vmem>>
        %dma_start3A_324 = arith.constant 0 : i32
        %dma_start3A_325 = tpu.memref_slice %arg5[%add3A_316, %dma_start3A_324] : memref<270336x128xf32, #tpu.memory_space<hbm>> -> memref<128x128xf32, #tpu.memory_space<hbm>>
        %dma_start3A_326 = arith.constant 0 : i32
        %dma_start3A_327 = tpu.memref_slice %arg5[%add3A_316, %dma_start3A_326] : memref<270336x128xf32, #tpu.memory_space<hbm>> -> memref<128x128xf32, #tpu.memory_space<hbm>>
        %dma_start3A_328 = arith.constant 0 : i32
        %dma_start3A_329 = arith.constant 0 : i32
        %dma_start3A_330 = tpu.memref_slice %arg14[%dma_start3A_328, %dma_start3A_329] : memref<128x128xf32, #tpu.memory_space<vmem>> -> memref<128x128xf32, #tpu.memory_space<vmem>>
        tpu.enqueue_dma source(%dma_start3A_330 : memref<128x128xf32, #tpu.memory_space<vmem>>) target(%dma_start3A_327 : memref<128x128xf32, #tpu.memory_space<hbm>>) target_semaphore(%run_scoped3A : memref<!tpu.dma_semaphore, #tpu.memory_space<semaphore_mem>>)
        %dma_wait3A_331 = arith.constant 0 : i32
        %dma_wait3A_332 = arith.constant 0 : i32
        %dma_wait3A_333 = tpu.memref_slice %arg14[%dma_wait3A_331, %dma_wait3A_332] : memref<128x128xf32, #tpu.memory_space<vmem>> -> memref<128x128xf32, #tpu.memory_space<vmem>>
        %dma_wait3A_334 = arith.constant 0 : i32
        %dma_wait3A_335 = tpu.memref_slice %arg5[%add3A_316, %dma_wait3A_334] : memref<270336x128xf32, #tpu.memory_space<hbm>> -> memref<128x128xf32, #tpu.memory_space<hbm>>
        %dma_wait3A_336 = arith.constant 0 : i32
        %dma_wait3A_337 = tpu.memref_slice %arg5[%add3A_316, %dma_wait3A_336] : memref<270336x128xf32, #tpu.memory_space<hbm>> -> memref<128x128xf32, #tpu.memory_space<hbm>>
        %dma_wait3A_338 = arith.constant 0 : i32
        %dma_wait3A_339 = arith.constant 0 : i32
        %dma_wait3A_340 = tpu.memref_slice %arg14[%dma_wait3A_338, %dma_wait3A_339] : memref<128x128xf32, #tpu.memory_space<vmem>> -> memref<128x128xf32, #tpu.memory_space<vmem>>
        tpu.wait_dma2 semaphore(%run_scoped3A : memref<!tpu.dma_semaphore, #tpu.memory_space<semaphore_mem>>) src(%dma_wait3A_340 : memref<128x128xf32, #tpu.memory_space<vmem>>) dst(%dma_wait3A_337 : memref<128x128xf32, #tpu.memory_space<hbm>>)
        tpu.yield
      }) : () -> ()
      %mul3A_317 = arith.constant 8448 : i32
      %mul3A_318 = arith.muli %add3A, %mul3A_317 : i32
      %add3A_319 = arith.addi %mul3A_318, %add3A_290 : i32
      "tpu.region"() ({
        %run_scoped3A = tpu.sem_alloc : memref<!tpu.dma_semaphore, #tpu.memory_space<semaphore_mem>>
        %dma_start3A_321 = tpu.memref_slice %arg12[%mul3A_286] : memref<8192xi32, #tpu.memory_space<vmem>> -> memref<128xi32, #tpu.memory_space<vmem>>
        %dma_start3A_322 = tpu.memref_slice %arg6[%add3A_319] : memref<270336xi32, #tpu.memory_space<hbm>> -> memref<128xi32, #tpu.memory_space<hbm>>
        %dma_start3A_323 = tpu.memref_slice %arg6[%add3A_319] : memref<270336xi32, #tpu.memory_space<hbm>> -> memref<128xi32, #tpu.memory_space<hbm>>
        %dma_start3A_324 = tpu.memref_slice %arg12[%mul3A_286] : memref<8192xi32, #tpu.memory_space<vmem>> -> memref<128xi32, #tpu.memory_space<vmem>>
        tpu.enqueue_dma source(%dma_start3A_324 : memref<128xi32, #tpu.memory_space<vmem>>) target(%dma_start3A_323 : memref<128xi32, #tpu.memory_space<hbm>>) target_semaphore(%run_scoped3A : memref<!tpu.dma_semaphore, #tpu.memory_space<semaphore_mem>>)
        %dma_wait3A_325 = tpu.memref_slice %arg12[%mul3A_286] : memref<8192xi32, #tpu.memory_space<vmem>> -> memref<128xi32, #tpu.memory_space<vmem>>
        %dma_wait3A_326 = tpu.memref_slice %arg6[%add3A_319] : memref<270336xi32, #tpu.memory_space<hbm>> -> memref<128xi32, #tpu.memory_space<hbm>>
        %dma_wait3A_327 = tpu.memref_slice %arg6[%add3A_319] : memref<270336xi32, #tpu.memory_space<hbm>> -> memref<128xi32, #tpu.memory_space<hbm>>
        %dma_wait3A_328 = tpu.memref_slice %arg12[%mul3A_286] : memref<8192xi32, #tpu.memory_space<vmem>> -> memref<128xi32, #tpu.memory_space<vmem>>
        tpu.wait_dma2 semaphore(%run_scoped3A : memref<!tpu.dma_semaphore, #tpu.memory_space<semaphore_mem>>) src(%dma_wait3A_328 : memref<128xi32, #tpu.memory_space<vmem>>) dst(%dma_wait3A_327 : memref<128xi32, #tpu.memory_space<hbm>>)
        tpu.yield
      }) : () -> ()
      %scan3A_320 = arith.constant 0 : i32
      scf.yield %scan3A_320 : i32
    }
    %scan3A_222 = arith.constant 64 : i32
    %scan3A_223 = arith.constant 0 : i32
    %scan3A_224 = arith.constant 0 : i32
    %scan3A_225 = arith.constant 2 : i32
    %scan3A_226 = arith.addi %scan3A_224, %scan3A_225 : i32
    %scan3A_227 = arith.constant 1 : i32
    %scan3A_228 = scf.for %scan3A_283 = %scan3A_224 to %scan3A_226 step %scan3A_227 iter_args(%scan3A_284 = %scan3A_223) -> (i32)  : i32 {
      %mul3A_285 = arith.constant 16 : i32
      %mul3A_286 = arith.muli %scan3A_283, %mul3A_285 : i32
      %add3A_287 = arith.constant 8160 : i32
      %add3A_288 = arith.addi %add3A_287, %mul3A_286 : i32
      %get3A_289 = arith.index_cast %add3A_288 : i32 to index
      %get3A_290 = tpu.vector_load %arg12[%get3A_289] {strides = array<i32>} : memref<8192xi32, #tpu.memory_space<vmem>>, vector<16xi32>,
      %mul3A_291 = arith.constant 2048 : i32
      %mul3A_292 = arith.muli %add3A, %mul3A_291 : i32
      %add3A_293 = vector.broadcast %mul3A_292 : i32 to vector<16xi32>
      %add3A_294 = arith.addi %add3A_293, %get3A_290 : vector<16xi32>
      %mul3A_295 = arith.constant 16 : i32
      %mul3A_296 = arith.muli %scan3A_283, %mul3A_295 : i32
      %swap3A_297 = arith.index_cast %mul3A_296 : i32 to index
      %swap3A_298 = tpu.vector_load %arg13[%swap3A_297] {strides = array<i32>} : memref<128xi32, #tpu.memory_space<vmem>>, vector<16xi32>,
      tpu.vector_store %arg13[%swap3A_297], %add3A_294 {strides = array<i32>} : memref<128xi32, #tpu.memory_space<vmem>>, vector<16xi32>,
      %scan3A_299 = arith.constant 0 : i32
      scf.yield %scan3A_299 : i32
    }
    %scan3A_229 = arith.constant 2 : i32
    %dma_start3A = arith.constant 0 : i32
    %dma_start3A_230 = arith.constant 0 : i32
    %dma_start3A_231 = tpu.memref_slice %arg14[%dma_start3A, %dma_start3A_230] : memref<128x128xf32, #tpu.memory_space<vmem>> -> memref<32x128xf32, #tpu.memory_space<vmem>>
    %dma_start3A_232 = arith.constant 0 : i32
    %dma_start3A_233 = tpu.memref_slice %arg13[%dma_start3A_232] : memref<128xi32, #tpu.memory_space<vmem>> -> memref<32xi32, #tpu.memory_space<vmem>>
    %dma_start3A_234 = arith.constant 0 : i32
    %dma_start3A_235 = arith.constant 0 : i32
    %dma_start3A_236 = tpu.memref_slice %arg4[%dma_start3A_234, %dma_start3A_235] : memref<65536x128xf32, #tpu.memory_space<hbm>> -> memref<65536x128xf32, #tpu.memory_space<hbm>>
    tpu.enqueue_indirect_dma source(%dma_start3A_236 : memref<65536x128xf32, #tpu.memory_space<hbm>>) target(%dma_start3A_231 : memref<32x128xf32, #tpu.memory_space<vmem>>) offsets(%dma_start3A_233 : memref<32xi32, #tpu.memory_space<vmem>>) semaphore(%arg15 : memref<!tpu.dma_semaphore, #tpu.memory_space<semaphore_mem>>)
    %dma_wait3A = arith.constant 0 : i32
    %dma_wait3A_237 = arith.constant 0 : i32
    %dma_wait3A_238 = tpu.memref_slice %arg14[%dma_wait3A, %dma_wait3A_237] : memref<128x128xf32, #tpu.memory_space<vmem>> -> memref<32x128xf32, #tpu.memory_space<vmem>>
    %dma_wait3A_239 = arith.constant 0 : i32
    %dma_wait3A_240 = tpu.memref_slice %arg13[%dma_wait3A_239] : memref<128xi32, #tpu.memory_space<vmem>> -> memref<32xi32, #tpu.memory_space<vmem>>
    %dma_wait3A_241 = arith.constant 0 : i32
    %dma_wait3A_242 = arith.constant 0 : i32
    %dma_wait3A_243 = tpu.memref_slice %arg4[%dma_wait3A_241, %dma_wait3A_242] : memref<65536x128xf32, #tpu.memory_space<hbm>> -> memref<65536x128xf32, #tpu.memory_space<hbm>>
    tpu.wait_indirect_dma semaphore(%arg15 : memref<!tpu.dma_semaphore, #tpu.memory_space<semaphore_mem>>) src(%dma_wait3A_243 : memref<65536x128xf32, #tpu.memory_space<hbm>>) dst(%dma_wait3A_238 : memref<32x128xf32, #tpu.memory_space<vmem>>)
    %mul3A_244 = arith.constant 8448 : i32
    %mul3A_245 = arith.muli %add3A, %mul3A_244 : i32
    %add3A_246 = arith.constant 0 : i32
    %add3A_247 = arith.addi %mul3A_245, %add3A_246 : i32
    "tpu.region"() ({
      %run_scoped3A = tpu.sem_alloc : memref<!tpu.dma_semaphore, #tpu.memory_space<semaphore_mem>>
      %dma_start3A_283 = arith.constant 0 : i32
      %dma_start3A_284 = arith.constant 0 : i32
      %dma_start3A_285 = tpu.memref_slice %arg14[%dma_start3A_283, %dma_start3A_284] : memref<128x128xf32, #tpu.memory_space<vmem>> -> memref<32x128xf32, #tpu.memory_space<vmem>>
      %dma_start3A_286 = arith.constant 0 : i32
      %dma_start3A_287 = tpu.memref_slice %arg5[%add3A_247, %dma_start3A_286] : memref<270336x128xf32, #tpu.memory_space<hbm>> -> memref<32x128xf32, #tpu.memory_space<hbm>>
      %dma_start3A_288 = arith.constant 0 : i32
      %dma_start3A_289 = tpu.memref_slice %arg5[%add3A_247, %dma_start3A_288] : memref<270336x128xf32, #tpu.memory_space<hbm>> -> memref<32x128xf32, #tpu.memory_space<hbm>>
      %dma_start3A_290 = arith.constant 0 : i32
      %dma_start3A_291 = arith.constant 0 : i32
      %dma_start3A_292 = tpu.memref_slice %arg14[%dma_start3A_290, %dma_start3A_291] : memref<128x128xf32, #tpu.memory_space<vmem>> -> memref<32x128xf32, #tpu.memory_space<vmem>>
      tpu.enqueue_dma source(%dma_start3A_292 : memref<32x128xf32, #tpu.memory_space<vmem>>) target(%dma_start3A_289 : memref<32x128xf32, #tpu.memory_space<hbm>>) target_semaphore(%run_scoped3A : memref<!tpu.dma_semaphore, #tpu.memory_space<semaphore_mem>>)
      %dma_wait3A_293 = arith.constant 0 : i32
      %dma_wait3A_294 = arith.constant 0 : i32
      %dma_wait3A_295 = tpu.memref_slice %arg14[%dma_wait3A_293, %dma_wait3A_294] : memref<128x128xf32, #tpu.memory_space<vmem>> -> memref<32x128xf32, #tpu.memory_space<vmem>>
      %dma_wait3A_296 = arith.constant 0 : i32
      %dma_wait3A_297 = tpu.memref_slice %arg5[%add3A_247, %dma_wait3A_296] : memref<270336x128xf32, #tpu.memory_space<hbm>> -> memref<32x128xf32, #tpu.memory_space<hbm>>
      %dma_wait3A_298 = arith.constant 0 : i32
      %dma_wait3A_299 = tpu.memref_slice %arg5[%add3A_247, %dma_wait3A_298] : memref<270336x128xf32, #tpu.memory_space<hbm>> -> memref<32x128xf32, #tpu.memory_space<hbm>>
      %dma_wait3A_300 = arith.constant 0 : i32
      %dma_wait3A_301 = arith.constant 0 : i32
      %dma_wait3A_302 = tpu.memref_slice %arg14[%dma_wait3A_300, %dma_wait3A_301] : memref<128x128xf32, #tpu.memory_space<vmem>> -> memref<32x128xf32, #tpu.memory_space<vmem>>
      tpu.wait_dma2 semaphore(%run_scoped3A : memref<!tpu.dma_semaphore, #tpu.memory_space<semaphore_mem>>) src(%dma_wait3A_302 : memref<32x128xf32, #tpu.memory_space<vmem>>) dst(%dma_wait3A_299 : memref<32x128xf32, #tpu.memory_space<hbm>>)
      tpu.yield
    }) : () -> ()
    %mul3A_248 = arith.constant 8448 : i32
    %mul3A_249 = arith.muli %add3A, %mul3A_248 : i32
    %add3A_250 = arith.constant 0 : i32
    %add3A_251 = arith.addi %mul3A_249, %add3A_250 : i32
    "tpu.region"() ({
      %run_scoped3A = tpu.sem_alloc : memref<!tpu.dma_semaphore, #tpu.memory_space<semaphore_mem>>
      %dma_start3A_283 = arith.constant 8160 : i32
      %dma_start3A_284 = tpu.memref_slice %arg12[%dma_start3A_283] : memref<8192xi32, #tpu.memory_space<vmem>> -> memref<32xi32, #tpu.memory_space<vmem>>
      %dma_start3A_285 = tpu.memref_slice %arg6[%add3A_251] : memref<270336xi32, #tpu.memory_space<hbm>> -> memref<32xi32, #tpu.memory_space<hbm>>
      %dma_start3A_286 = tpu.memref_slice %arg6[%add3A_251] : memref<270336xi32, #tpu.memory_space<hbm>> -> memref<32xi32, #tpu.memory_space<hbm>>
      %dma_start3A_287 = arith.constant 8160 : i32
      %dma_start3A_288 = tpu.memref_slice %arg12[%dma_start3A_287] : memref<8192xi32, #tpu.memory_space<vmem>> -> memref<32xi32, #tpu.memory_space<vmem>>
      tpu.enqueue_dma source(%dma_start3A_288 : memref<32xi32, #tpu.memory_space<vmem>>) target(%dma_start3A_286 : memref<32xi32, #tpu.memory_space<hbm>>) target_semaphore(%run_scoped3A : memref<!tpu.dma_semaphore, #tpu.memory_space<semaphore_mem>>)
      %dma_wait3A_289 = arith.constant 8160 : i32
      %dma_wait3A_290 = tpu.memref_slice %arg12[%dma_wait3A_289] : memref<8192xi32, #tpu.memory_space<vmem>> -> memref<32xi32, #tpu.memory_space<vmem>>
      %dma_wait3A_291 = tpu.memref_slice %arg6[%add3A_251] : memref<270336xi32, #tpu.memory_space<hbm>> -> memref<32xi32, #tpu.memory_space<hbm>>
      %dma_wait3A_292 = tpu.memref_slice %arg6[%add3A_251] : memref<270336xi32, #tpu.memory_space<hbm>> -> memref<32xi32, #tpu.memory_space<hbm>>
      %dma_wait3A_293 = arith.constant 8160 : i32
      %dma_wait3A_294 = tpu.memref_slice %arg12[%dma_wait3A_293] : memref<8192xi32, #tpu.memory_space<vmem>> -> memref<32xi32, #tpu.memory_space<vmem>>
      tpu.wait_dma2 semaphore(%run_scoped3A : memref<!tpu.dma_semaphore, #tpu.memory_space<semaphore_mem>>) src(%dma_wait3A_294 : memref<32xi32, #tpu.memory_space<vmem>>) dst(%dma_wait3A_292 : memref<32xi32, #tpu.memory_space<hbm>>)
      tpu.yield
    }) : () -> ()
    %scan3A_252 = arith.constant 0 : i32
    %scan3A_253 = arith.constant 0 : i32
    %scan3A_254 = arith.constant 2 : i32
    %scan3A_255 = arith.addi %scan3A_253, %scan3A_254 : i32
    %scan3A_256 = arith.constant 1 : i32
    %scan3A_257 = scf.for %scan3A_283 = %scan3A_253 to %scan3A_255 step %scan3A_256 iter_args(%scan3A_284 = %scan3A_252) -> (i32)  : i32 {
      %mul3A_285 = arith.constant 16 : i32
      %mul3A_286 = arith.muli %scan3A_283, %mul3A_285 : i32
      %add3A_287 = arith.constant 0 : i32
      %add3A_288 = arith.addi %add3A_287, %mul3A_286 : i32
      %get3A_289 = arith.index_cast %add3A_288 : i32 to index
      %get3A_290 = tpu.vector_load %arg12[%get3A_289] {strides = array<i32>} : memref<8192xi32, #tpu.memory_space<vmem>>, vector<16xi32>,
      %mul3A_291 = arith.constant 2048 : i32
      %mul3A_292 = arith.muli %add3A, %mul3A_291 : i32
      %add3A_293 = vector.broadcast %mul3A_292 : i32 to vector<16xi32>
      %add3A_294 = arith.addi %add3A_293, %get3A_290 : vector<16xi32>
      %mul3A_295 = arith.constant 16 : i32
      %mul3A_296 = arith.muli %scan3A_283, %mul3A_295 : i32
      %swap3A_297 = arith.index_cast %mul3A_296 : i32 to index
      %swap3A_298 = tpu.vector_load %arg13[%swap3A_297] {strides = array<i32>} : memref<128xi32, #tpu.memory_space<vmem>>, vector<16xi32>,
      tpu.vector_store %arg13[%swap3A_297], %add3A_294 {strides = array<i32>} : memref<128xi32, #tpu.memory_space<vmem>>, vector<16xi32>,
      %scan3A_299 = arith.constant 0 : i32
      scf.yield %scan3A_299 : i32
    }
    %scan3A_258 = arith.constant 2 : i32
    %dma_start3A_259 = arith.constant 0 : i32
    %dma_start3A_260 = arith.constant 0 : i32
    %dma_start3A_261 = tpu.memref_slice %arg14[%dma_start3A_259, %dma_start3A_260] : memref<128x128xf32, #tpu.memory_space<vmem>> -> memref<32x128xf32, #tpu.memory_space<vmem>>
    %dma_start3A_262 = arith.constant 0 : i32
    %dma_start3A_263 = tpu.memref_slice %arg13[%dma_start3A_262] : memref<128xi32, #tpu.memory_space<vmem>> -> memref<32xi32, #tpu.memory_space<vmem>>
    %dma_start3A_264 = arith.constant 0 : i32
    %dma_start3A_265 = arith.constant 0 : i32
    %dma_start3A_266 = tpu.memref_slice %arg4[%dma_start3A_264, %dma_start3A_265] : memref<65536x128xf32, #tpu.memory_space<hbm>> -> memref<65536x128xf32, #tpu.memory_space<hbm>>
    tpu.enqueue_indirect_dma source(%dma_start3A_266 : memref<65536x128xf32, #tpu.memory_space<hbm>>) target(%dma_start3A_261 : memref<32x128xf32, #tpu.memory_space<vmem>>) offsets(%dma_start3A_263 : memref<32xi32, #tpu.memory_space<vmem>>) semaphore(%arg15 : memref<!tpu.dma_semaphore, #tpu.memory_space<semaphore_mem>>)
    %dma_wait3A_267 = arith.constant 0 : i32
    %dma_wait3A_268 = arith.constant 0 : i32
    %dma_wait3A_269 = tpu.memref_slice %arg14[%dma_wait3A_267, %dma_wait3A_268] : memref<128x128xf32, #tpu.memory_space<vmem>> -> memref<32x128xf32, #tpu.memory_space<vmem>>
    %dma_wait3A_270 = arith.constant 0 : i32
    %dma_wait3A_271 = tpu.memref_slice %arg13[%dma_wait3A_270] : memref<128xi32, #tpu.memory_space<vmem>> -> memref<32xi32, #tpu.memory_space<vmem>>
    %dma_wait3A_272 = arith.constant 0 : i32
    %dma_wait3A_273 = arith.constant 0 : i32
    %dma_wait3A_274 = tpu.memref_slice %arg4[%dma_wait3A_272, %dma_wait3A_273] : memref<65536x128xf32, #tpu.memory_space<hbm>> -> memref<65536x128xf32, #tpu.memory_space<hbm>>
    tpu.wait_indirect_dma semaphore(%arg15 : memref<!tpu.dma_semaphore, #tpu.memory_space<semaphore_mem>>) src(%dma_wait3A_274 : memref<65536x128xf32, #tpu.memory_space<hbm>>) dst(%dma_wait3A_269 : memref<32x128xf32, #tpu.memory_space<vmem>>)
    %mul3A_275 = arith.constant 8448 : i32
    %mul3A_276 = arith.muli %add3A, %mul3A_275 : i32
    %add3A_277 = arith.constant 8224 : i32
    %add3A_278 = arith.addi %mul3A_276, %add3A_277 : i32
    "tpu.region"() ({
      %run_scoped3A = tpu.sem_alloc : memref<!tpu.dma_semaphore, #tpu.memory_space<semaphore_mem>>
      %dma_start3A_283 = arith.constant 0 : i32
      %dma_start3A_284 = arith.constant 0 : i32
      %dma_start3A_285 = tpu.memref_slice %arg14[%dma_start3A_283, %dma_start3A_284] : memref<128x128xf32, #tpu.memory_space<vmem>> -> memref<32x128xf32, #tpu.memory_space<vmem>>
      %dma_start3A_286 = arith.constant 0 : i32
      %dma_start3A_287 = tpu.memref_slice %arg5[%add3A_278, %dma_start3A_286] : memref<270336x128xf32, #tpu.memory_space<hbm>> -> memref<32x128xf32, #tpu.memory_space<hbm>>
      %dma_start3A_288 = arith.constant 0 : i32
      %dma_start3A_289 = tpu.memref_slice %arg5[%add3A_278, %dma_start3A_288] : memref<270336x128xf32, #tpu.memory_space<hbm>> -> memref<32x128xf32, #tpu.memory_space<hbm>>
      %dma_start3A_290 = arith.constant 0 : i32
      %dma_start3A_291 = arith.constant 0 : i32
      %dma_start3A_292 = tpu.memref_slice %arg14[%dma_start3A_290, %dma_start3A_291] : memref<128x128xf32, #tpu.memory_space<vmem>> -> memref<32x128xf32, #tpu.memory_space<vmem>>
      tpu.enqueue_dma source(%dma_start3A_292 : memref<32x128xf32, #tpu.memory_space<vmem>>) target(%dma_start3A_289 : memref<32x128xf32, #tpu.memory_space<hbm>>) target_semaphore(%run_scoped3A : memref<!tpu.dma_semaphore, #tpu.memory_space<semaphore_mem>>)
      %dma_wait3A_293 = arith.constant 0 : i32
      %dma_wait3A_294 = arith.constant 0 : i32
      %dma_wait3A_295 = tpu.memref_slice %arg14[%dma_wait3A_293, %dma_wait3A_294] : memref<128x128xf32, #tpu.memory_space<vmem>> -> memref<32x128xf32, #tpu.memory_space<vmem>>
      %dma_wait3A_296 = arith.constant 0 : i32
      %dma_wait3A_297 = tpu.memref_slice %arg5[%add3A_278, %dma_wait3A_296] : memref<270336x128xf32, #tpu.memory_space<hbm>> -> memref<32x128xf32, #tpu.memory_space<hbm>>
      %dma_wait3A_298 = arith.constant 0 : i32
      %dma_wait3A_299 = tpu.memref_slice %arg5[%add3A_278, %dma_wait3A_298] : memref<270336x128xf32, #tpu.memory_space<hbm>> -> memref<32x128xf32, #tpu.memory_space<hbm>>
      %dma_wait3A_300 = arith.constant 0 : i32
      %dma_wait3A_301 = arith.constant 0 : i32
      %dma_wait3A_302 = tpu.memref_slice %arg14[%dma_wait3A_300, %dma_wait3A_301] : memref<128x128xf32, #tpu.memory_space<vmem>> -> memref<32x128xf32, #tpu.memory_space<vmem>>
      tpu.wait_dma2 semaphore(%run_scoped3A : memref<!tpu.dma_semaphore, #tpu.memory_space<semaphore_mem>>) src(%dma_wait3A_302 : memref<32x128xf32, #tpu.memory_space<vmem>>) dst(%dma_wait3A_299 : memref<32x128xf32, #tpu.memory_space<hbm>>)
      tpu.yield
    }) : () -> ()
    %mul3A_279 = arith.constant 8448 : i32
    %mul3A_280 = arith.muli %add3A, %mul3A_279 : i32
    %add3A_281 = arith.constant 8224 : i32
    %add3A_282 = arith.addi %mul3A_280, %add3A_281 : i32
    "tpu.region"() ({
      %run_scoped3A = tpu.sem_alloc : memref<!tpu.dma_semaphore, #tpu.memory_space<semaphore_mem>>
      %dma_start3A_283 = arith.constant 0 : i32
      %dma_start3A_284 = tpu.memref_slice %arg12[%dma_start3A_283] : memref<8192xi32, #tpu.memory_space<vmem>> -> memref<32xi32, #tpu.memory_space<vmem>>
      %dma_start3A_285 = tpu.memref_slice %arg6[%add3A_282] : memref<270336xi32, #tpu.memory_space<hbm>> -> memref<32xi32, #tpu.memory_space<hbm>>
      %dma_start3A_286 = tpu.memref_slice %arg6[%add3A_282] : memref<270336xi32, #tpu.memory_space<hbm>> -> memref<32xi32, #tpu.memory_space<hbm>>
      %dma_start3A_287 = arith.constant 0 : i32
      %dma_start3A_288 = tpu.memref_slice %arg12[%dma_start3A_287] : memref<8192xi32, #tpu.memory_space<vmem>> -> memref<32xi32, #tpu.memory_space<vmem>>
      tpu.enqueue_dma source(%dma_start3A_288 : memref<32xi32, #tpu.memory_space<vmem>>) target(%dma_start3A_286 : memref<32xi32, #tpu.memory_space<hbm>>) target_semaphore(%run_scoped3A : memref<!tpu.dma_semaphore, #tpu.memory_space<semaphore_mem>>)
      %dma_wait3A_289 = arith.constant 0 : i32
      %dma_wait3A_290 = tpu.memref_slice %arg12[%dma_wait3A_289] : memref<8192xi32, #tpu.memory_space<vmem>> -> memref<32xi32, #tpu.memory_space<vmem>>
      %dma_wait3A_291 = tpu.memref_slice %arg6[%add3A_282] : memref<270336xi32, #tpu.memory_space<hbm>> -> memref<32xi32, #tpu.memory_space<hbm>>
      %dma_wait3A_292 = tpu.memref_slice %arg6[%add3A_282] : memref<270336xi32, #tpu.memory_space<hbm>> -> memref<32xi32, #tpu.memory_space<hbm>>
      %dma_wait3A_293 = arith.constant 0 : i32
      %dma_wait3A_294 = tpu.memref_slice %arg12[%dma_wait3A_293] : memref<8192xi32, #tpu.memory_space<vmem>> -> memref<32xi32, #tpu.memory_space<vmem>>
      tpu.wait_dma2 semaphore(%run_scoped3A : memref<!tpu.dma_semaphore, #tpu.memory_space<semaphore_mem>>) src(%dma_wait3A_294 : memref<32xi32, #tpu.memory_space<vmem>>) dst(%dma_wait3A_292 : memref<32xi32, #tpu.memory_space<hbm>>)
      tpu.yield
    }) : () -> ()
    return
  }
}

#map = affine_map<(d0, d1) -> (0, 0)>
#map1 = affine_map<(d0, d1) -> (0)>
module attributes {stable_mosaic.version = 14 : i64} {
  func.func @_unsort_body(%arg0: i32, %arg1: i32, %arg2: memref<262144x128xf32, #tpu.memory_space<hbm>>, %arg3: memref<262144xi32, #tpu.memory_space<hbm>>, %arg4: memref<262144x128xf32, #tpu.memory_space<hbm>>, %arg5: memref<8192xi32, #tpu.memory_space<vmem>>, %arg6: memref<128xi32, #tpu.memory_space<vmem>>, %arg7: memref<128x128xf32, #tpu.memory_space<vmem>>, %arg8: memref<!tpu.dma_semaphore, #tpu.memory_space<semaphore_mem>>) attributes {dimension_semantics = [#tpu.dimension_semantics<core_parallel>, #tpu.dimension_semantics<subcore_parallel>], iteration_bounds = array<i64: 2, 16>, scalar_prefetch = 0 : i64, scratch_operands = 4 : i64, tpu.core_type = #tpu.core_type<sc_vector_subcore>, window_params = [{transform_indices = #map}, {transform_indices = #map1}, {transform_indices = #map}]} {
    %mul3A = arith.constant 2 : i32
    %mul3A_0 = arith.muli %arg1, %mul3A : i32
    %add3A = arith.addi %mul3A_0, %arg0 : i32
    %mul3A_1 = arith.constant 8192 : i32
    %mul3A_2 = arith.muli %add3A, %mul3A_1 : i32
    "tpu.region"() ({
      %run_scoped3A = tpu.sem_alloc : memref<!tpu.dma_semaphore, #tpu.memory_space<semaphore_mem>>
      %dma_start3A = tpu.memref_slice %arg3[%mul3A_2] : memref<262144xi32, #tpu.memory_space<hbm>> -> memref<8192xi32, #tpu.memory_space<hbm>>
      %dma_start3A_9 = tpu.memref_slice %arg3[%mul3A_2] : memref<262144xi32, #tpu.memory_space<hbm>> -> memref<8192xi32, #tpu.memory_space<hbm>>
      tpu.enqueue_dma source(%dma_start3A_9 : memref<8192xi32, #tpu.memory_space<hbm>>) target(%arg5 : memref<8192xi32, #tpu.memory_space<vmem>>) target_semaphore(%run_scoped3A : memref<!tpu.dma_semaphore, #tpu.memory_space<semaphore_mem>>)
      %dma_wait3A = tpu.memref_slice %arg3[%mul3A_2] : memref<262144xi32, #tpu.memory_space<hbm>> -> memref<8192xi32, #tpu.memory_space<hbm>>
      %dma_wait3A_10 = tpu.memref_slice %arg3[%mul3A_2] : memref<262144xi32, #tpu.memory_space<hbm>> -> memref<8192xi32, #tpu.memory_space<hbm>>
      tpu.wait_dma2 semaphore(%run_scoped3A : memref<!tpu.dma_semaphore, #tpu.memory_space<semaphore_mem>>) src(%dma_wait3A_10 : memref<8192xi32, #tpu.memory_space<hbm>>) dst(%arg5 : memref<8192xi32, #tpu.memory_space<vmem>>)
      tpu.yield
    }) : () -> ()
    %scan3A = arith.constant 0 : i32
    %scan3A_3 = arith.constant 0 : i32
    %scan3A_4 = arith.constant 64 : i32
    %scan3A_5 = arith.addi %scan3A_3, %scan3A_4 : i32
    %scan3A_6 = arith.constant 1 : i32
    %scan3A_7 = scf.for %scan3A_9 = %scan3A_3 to %scan3A_5 step %scan3A_6 iter_args(%scan3A_10 = %scan3A) -> (i32)  : i32 {
      %mul3A_11 = arith.constant 128 : i32
      %mul3A_12 = arith.muli %scan3A_9, %mul3A_11 : i32
      %scan3A_13 = arith.constant 0 : i32
      %scan3A_14 = arith.constant 0 : i32
      %scan3A_15 = arith.constant 8 : i32
      %scan3A_16 = arith.addi %scan3A_14, %scan3A_15 : i32
      %scan3A_17 = arith.constant 1 : i32
      %scan3A_18 = scf.for %scan3A_28 = %scan3A_14 to %scan3A_16 step %scan3A_17 iter_args(%scan3A_29 = %scan3A_13) -> (i32)  : i32 {
        %mul3A_30 = arith.constant 16 : i32
        %mul3A_31 = arith.muli %scan3A_28, %mul3A_30 : i32
        %add3A_32 = arith.addi %mul3A_12, %mul3A_31 : i32
        %get3A = arith.index_cast %add3A_32 : i32 to index
        %get3A_33 = tpu.vector_load %arg5[%get3A] {strides = array<i32>} : memref<8192xi32, #tpu.memory_space<vmem>>, vector<16xi32>,
        %mul3A_34 = arith.constant 8192 : i32
        %mul3A_35 = arith.muli %add3A, %mul3A_34 : i32
        %add3A_36 = vector.broadcast %mul3A_35 : i32 to vector<16xi32>
        %add3A_37 = arith.addi %add3A_36, %get3A_33 : vector<16xi32>
        %mul3A_38 = arith.constant 16 : i32
        %mul3A_39 = arith.muli %scan3A_28, %mul3A_38 : i32
        %swap3A = arith.index_cast %mul3A_39 : i32 to index
        %swap3A_40 = tpu.vector_load %arg6[%swap3A] {strides = array<i32>} : memref<128xi32, #tpu.memory_space<vmem>>, vector<16xi32>,
        tpu.vector_store %arg6[%swap3A], %add3A_37 {strides = array<i32>} : memref<128xi32, #tpu.memory_space<vmem>>, vector<16xi32>,
        %scan3A_41 = arith.constant 0 : i32
        scf.yield %scan3A_41 : i32
      }
      %scan3A_19 = arith.constant 8 : i32
      %dma_start3A = arith.constant 0 : i32
      %dma_start3A_20 = arith.constant 0 : i32
      %dma_start3A_21 = tpu.memref_slice %arg2[%dma_start3A, %dma_start3A_20] : memref<262144x128xf32, #tpu.memory_space<hbm>> -> memref<262144x128xf32, #tpu.memory_space<hbm>>
      tpu.enqueue_indirect_dma source(%dma_start3A_21 : memref<262144x128xf32, #tpu.memory_space<hbm>>) target(%arg7 : memref<128x128xf32, #tpu.memory_space<vmem>>) offsets(%arg6 : memref<128xi32, #tpu.memory_space<vmem>>) semaphore(%arg8 : memref<!tpu.dma_semaphore, #tpu.memory_space<semaphore_mem>>)
      %dma_wait3A = arith.constant 0 : i32
      %dma_wait3A_22 = arith.constant 0 : i32
      %dma_wait3A_23 = tpu.memref_slice %arg2[%dma_wait3A, %dma_wait3A_22] : memref<262144x128xf32, #tpu.memory_space<hbm>> -> memref<262144x128xf32, #tpu.memory_space<hbm>>
      tpu.wait_indirect_dma semaphore(%arg8 : memref<!tpu.dma_semaphore, #tpu.memory_space<semaphore_mem>>) src(%dma_wait3A_23 : memref<262144x128xf32, #tpu.memory_space<hbm>>) dst(%arg7 : memref<128x128xf32, #tpu.memory_space<vmem>>)
      %mul3A_24 = arith.constant 8192 : i32
      %mul3A_25 = arith.muli %add3A, %mul3A_24 : i32
      %add3A_26 = arith.addi %mul3A_25, %mul3A_12 : i32
      "tpu.region"() ({
        %run_scoped3A = tpu.sem_alloc : memref<!tpu.dma_semaphore, #tpu.memory_space<semaphore_mem>>
        %dma_start3A_28 = arith.constant 0 : i32
        %dma_start3A_29 = tpu.memref_slice %arg4[%add3A_26, %dma_start3A_28] : memref<262144x128xf32, #tpu.memory_space<hbm>> -> memref<128x128xf32, #tpu.memory_space<hbm>>
        %dma_start3A_30 = arith.constant 0 : i32
        %dma_start3A_31 = tpu.memref_slice %arg4[%add3A_26, %dma_start3A_30] : memref<262144x128xf32, #tpu.memory_space<hbm>> -> memref<128x128xf32, #tpu.memory_space<hbm>>
        tpu.enqueue_dma source(%arg7 : memref<128x128xf32, #tpu.memory_space<vmem>>) target(%dma_start3A_31 : memref<128x128xf32, #tpu.memory_space<hbm>>) target_semaphore(%run_scoped3A : memref<!tpu.dma_semaphore, #tpu.memory_space<semaphore_mem>>)
        %dma_wait3A_32 = arith.constant 0 : i32
        %dma_wait3A_33 = tpu.memref_slice %arg4[%add3A_26, %dma_wait3A_32] : memref<262144x128xf32, #tpu.memory_space<hbm>> -> memref<128x128xf32, #tpu.memory_space<hbm>>
        %dma_wait3A_34 = arith.constant 0 : i32
        %dma_wait3A_35 = tpu.memref_slice %arg4[%add3A_26, %dma_wait3A_34] : memref<262144x128xf32, #tpu.memory_space<hbm>> -> memref<128x128xf32, #tpu.memory_space<hbm>>
        tpu.wait_dma2 semaphore(%run_scoped3A : memref<!tpu.dma_semaphore, #tpu.memory_space<semaphore_mem>>) src(%arg7 : memref<128x128xf32, #tpu.memory_space<vmem>>) dst(%dma_wait3A_35 : memref<128x128xf32, #tpu.memory_space<hbm>>)
        tpu.yield
      }) : () -> ()
      %scan3A_27 = arith.constant 0 : i32
      scf.yield %scan3A_27 : i32
    }
    %scan3A_8 = arith.constant 64 : i32
    return
  }
}

module attributes {stable_mosaic.version = 14 : i64} {
  func.func @_hash_body(%arg0: i32, %arg1: memref<1x2048x64xf32, #tpu.memory_space<vmem>>, %arg2: memref<64x128xf32, #tpu.memory_space<vmem>>, %arg3: memref<1x4x2048xi32, #tpu.memory_space<vmem>>, %arg4: memref<1x1x256xi32, #tpu.memory_space<vmem>>) attributes {dimension_semantics = [#tpu.dimension_semantics<arbitrary>], iteration_bounds = array<i64: 32>, scalar_prefetch = 0 : i64, scratch_operands = 0 : i64, tpu.core_type = #tpu.core_type<tc>, window_params = [{transform_indices = @transform_0, window_bounds = array<i64: 1, 2048, 64>}, {pipeline_mode = #tpu.pipeline_mode<synchronous>, transform_indices = @transform_1, window_bounds = array<i64: 64, 128>}, {transform_indices = @transform_2, window_bounds = array<i64: 1, 4, 2048>}, {transform_indices = @transform_3, window_bounds = array<i64: 1, 1, 256>}]} {
    %get3A = arith.constant 0 : index
    %get3A_0 = arith.constant 0 : index
    %get3A_1 = arith.constant 0 : index
    %get3A_2 = vector.load %arg1[%get3A, %get3A_0, %get3A_1] : memref<1x2048x64xf32, #tpu.memory_space<vmem>>, vector<1x2048x64xf32>
    %get3A_3 = vector.shape_cast %get3A_2 : vector<1x2048x64xf32> to vector<2048x64xf32>
    %get3A_4 = arith.constant 0 : index
    %get3A_5 = arith.constant 0 : index
    %get3A_6 = vector.load %arg2[%get3A_4, %get3A_5] : memref<64x128xf32, #tpu.memory_space<vmem>>, vector<64x128xf32>
    %dot_general3A = arith.constant dense<0.000000e+00> : vector<2048x128xf32>
    %dot_general3A_7 = tpu.matmul %get3A_3, %get3A_6, %dot_general3A {dimension_numbers = #tpu.dot_dimension_numbers<[1], [0], [0], [1], [0, 0, 1, 1], [], []>, transpose_lhs_hint = false} : vector<2048x64xf32>, vector<64x128xf32>, vector<2048x128xf32> -> vector<2048x128xf32>
    %slice3A = vector.extract_strided_slice %dot_general3A_7 {offsets = [0, 0], sizes = [2048, 32], strides = [1, 1]} : vector<2048x128xf32> to vector<2048x32xf32>
    %neg3A = arith.constant 0.000000e+00 : f32
    %neg3A_8 = vector.broadcast %neg3A : f32 to vector<2048x32xf32>
    %neg3A_9 = arith.subf %neg3A_8, %slice3A : vector<2048x32xf32>
    %concatenate3A = tpu.concatenate %slice3A, %neg3A_9 in 1 : vector<2048x32xf32>, vector<2048x32xf32> -> vector<2048x64xf32>
    %argmax3A = tpu.reduce_index %concatenate3A {axis = 1 : i32, kind = #tpu.reduction_kind<arg_max>} : vector<2048x64xf32> -> vector<2048xi32>
    %add3A = arith.constant 0 : i32
    %add3A_10 = vector.broadcast %add3A : i32 to vector<2048xi32>
    %add3A_11 = arith.addi %argmax3A, %add3A_10 : vector<2048xi32>
    %swap3A = arith.constant 0 : index
    %swap3A_12 = arith.constant 0 : index
    %swap3A_13 = arith.constant 0 : index
    %swap3A_14 = vector.load %arg3[%swap3A, %swap3A_12, %swap3A_13] : memref<1x4x2048xi32, #tpu.memory_space<vmem>>, vector<1x1x2048xi32>
    %swap3A_15 = vector.shape_cast %swap3A_14 : vector<1x1x2048xi32> to vector<2048xi32>
    %swap3A_16 = vector.shape_cast %add3A_11 : vector<2048xi32> to vector<1x1x2048xi32>
    tpu.vector_store %arg3[%swap3A, %swap3A_12, %swap3A_13], %swap3A_16 {strides = array<i32>} : memref<1x4x2048xi32, #tpu.memory_space<vmem>>, vector<1x1x2048xi32>,
    %broadcast_in_dim3A = vector.shape_cast %argmax3A : vector<2048xi32> to vector<2048x1xi32>
    %iota3A = tpu.iota {dimensions = array<i32: 1>} : vector<2048x64xi32>
    %eq3A = vector.broadcast %broadcast_in_dim3A : vector<2048x1xi32> to vector<2048x64xi32>
    %eq3A_17 = arith.cmpi eq, %eq3A, %iota3A : vector<2048x64xi32>
    %convert_element_type3A = arith.extui %eq3A_17 : vector<2048x64xi1> to vector<2048x64xi32>
    %reduce_sum3A = arith.constant dense<0> : vector<64xi32>
    %reduce_sum3A_18 = vector.multi_reduction <add>, %convert_element_type3A, %reduce_sum3A [0] : vector<2048x64xi32> to vector<64xi32>
    %swap3A_19 = arith.constant 0 : index
    %swap3A_20 = arith.constant 0 : index
    %swap3A_21 = arith.constant 0 : index
    %swap3A_22 = vector.load %arg4[%swap3A_19, %swap3A_20, %swap3A_21] : memref<1x1x256xi32, #tpu.memory_space<vmem>>, vector<1x1x64xi32>
    %swap3A_23 = vector.shape_cast %swap3A_22 : vector<1x1x64xi32> to vector<64xi32>
    %swap3A_24 = vector.shape_cast %reduce_sum3A_18 : vector<64xi32> to vector<1x1x64xi32>
    tpu.vector_store %arg4[%swap3A_19, %swap3A_20, %swap3A_21], %swap3A_24 {strides = array<i32>} : memref<1x1x256xi32, #tpu.memory_space<vmem>>, vector<1x1x64xi32>,
    %slice3A_25 = vector.extract_strided_slice %dot_general3A_7 {offsets = [0, 32], sizes = [2048, 32], strides = [1, 1]} : vector<2048x128xf32> to vector<2048x32xf32>
    %neg3A_26 = arith.constant 0.000000e+00 : f32
    %neg3A_27 = vector.broadcast %neg3A_26 : f32 to vector<2048x32xf32>
    %neg3A_28 = arith.subf %neg3A_27, %slice3A_25 : vector<2048x32xf32>
    %concatenate3A_29 = tpu.concatenate %slice3A_25, %neg3A_28 in 1 : vector<2048x32xf32>, vector<2048x32xf32> -> vector<2048x64xf32>
    %argmax3A_30 = tpu.reduce_index %concatenate3A_29 {axis = 1 : i32, kind = #tpu.reduction_kind<arg_max>} : vector<2048x64xf32> -> vector<2048xi32>
    %add3A_31 = arith.constant 64 : i32
    %add3A_32 = vector.broadcast %add3A_31 : i32 to vector<2048xi32>
    %add3A_33 = arith.addi %argmax3A_30, %add3A_32 : vector<2048xi32>
    %swap3A_34 = arith.constant 0 : index
    %swap3A_35 = arith.constant 1 : index
    %swap3A_36 = arith.constant 0 : index
    %swap3A_37 = vector.load %arg3[%swap3A_34, %swap3A_35, %swap3A_36] : memref<1x4x2048xi32, #tpu.memory_space<vmem>>, vector<1x1x2048xi32>
    %swap3A_38 = vector.shape_cast %swap3A_37 : vector<1x1x2048xi32> to vector<2048xi32>
    %swap3A_39 = vector.shape_cast %add3A_33 : vector<2048xi32> to vector<1x1x2048xi32>
    tpu.vector_store %arg3[%swap3A_34, %swap3A_35, %swap3A_36], %swap3A_39 {strides = array<i32>} : memref<1x4x2048xi32, #tpu.memory_space<vmem>>, vector<1x1x2048xi32>,
    %broadcast_in_dim3A_40 = vector.shape_cast %argmax3A_30 : vector<2048xi32> to vector<2048x1xi32>
    %iota3A_41 = tpu.iota {dimensions = array<i32: 1>} : vector<2048x64xi32>
    %eq3A_42 = vector.broadcast %broadcast_in_dim3A_40 : vector<2048x1xi32> to vector<2048x64xi32>
    %eq3A_43 = arith.cmpi eq, %eq3A_42, %iota3A_41 : vector<2048x64xi32>
    %convert_element_type3A_44 = arith.extui %eq3A_43 : vector<2048x64xi1> to vector<2048x64xi32>
    %reduce_sum3A_45 = arith.constant dense<0> : vector<64xi32>
    %reduce_sum3A_46 = vector.multi_reduction <add>, %convert_element_type3A_44, %reduce_sum3A_45 [0] : vector<2048x64xi32> to vector<64xi32>
    %swap3A_47 = arith.constant 0 : index
    %swap3A_48 = arith.constant 0 : index
    %swap3A_49 = arith.constant 64 : index
    %swap3A_50 = vector.load %arg4[%swap3A_47, %swap3A_48, %swap3A_49] : memref<1x1x256xi32, #tpu.memory_space<vmem>>, vector<1x1x64xi32>
    %swap3A_51 = vector.shape_cast %swap3A_50 : vector<1x1x64xi32> to vector<64xi32>
    %swap3A_52 = vector.shape_cast %reduce_sum3A_46 : vector<64xi32> to vector<1x1x64xi32>
    tpu.vector_store %arg4[%swap3A_47, %swap3A_48, %swap3A_49], %swap3A_52 {strides = array<i32>} : memref<1x1x256xi32, #tpu.memory_space<vmem>>, vector<1x1x64xi32>,
    %slice3A_53 = vector.extract_strided_slice %dot_general3A_7 {offsets = [0, 64], sizes = [2048, 32], strides = [1, 1]} : vector<2048x128xf32> to vector<2048x32xf32>
    %neg3A_54 = arith.constant 0.000000e+00 : f32
    %neg3A_55 = vector.broadcast %neg3A_54 : f32 to vector<2048x32xf32>
    %neg3A_56 = arith.subf %neg3A_55, %slice3A_53 : vector<2048x32xf32>
    %concatenate3A_57 = tpu.concatenate %slice3A_53, %neg3A_56 in 1 : vector<2048x32xf32>, vector<2048x32xf32> -> vector<2048x64xf32>
    %argmax3A_58 = tpu.reduce_index %concatenate3A_57 {axis = 1 : i32, kind = #tpu.reduction_kind<arg_max>} : vector<2048x64xf32> -> vector<2048xi32>
    %add3A_59 = arith.constant 128 : i32
    %add3A_60 = vector.broadcast %add3A_59 : i32 to vector<2048xi32>
    %add3A_61 = arith.addi %argmax3A_58, %add3A_60 : vector<2048xi32>
    %swap3A_62 = arith.constant 0 : index
    %swap3A_63 = arith.constant 2 : index
    %swap3A_64 = arith.constant 0 : index
    %swap3A_65 = vector.load %arg3[%swap3A_62, %swap3A_63, %swap3A_64] : memref<1x4x2048xi32, #tpu.memory_space<vmem>>, vector<1x1x2048xi32>
    %swap3A_66 = vector.shape_cast %swap3A_65 : vector<1x1x2048xi32> to vector<2048xi32>
    %swap3A_67 = vector.shape_cast %add3A_61 : vector<2048xi32> to vector<1x1x2048xi32>
    tpu.vector_store %arg3[%swap3A_62, %swap3A_63, %swap3A_64], %swap3A_67 {strides = array<i32>} : memref<1x4x2048xi32, #tpu.memory_space<vmem>>, vector<1x1x2048xi32>,
    %broadcast_in_dim3A_68 = vector.shape_cast %argmax3A_58 : vector<2048xi32> to vector<2048x1xi32>
    %iota3A_69 = tpu.iota {dimensions = array<i32: 1>} : vector<2048x64xi32>
    %eq3A_70 = vector.broadcast %broadcast_in_dim3A_68 : vector<2048x1xi32> to vector<2048x64xi32>
    %eq3A_71 = arith.cmpi eq, %eq3A_70, %iota3A_69 : vector<2048x64xi32>
    %convert_element_type3A_72 = arith.extui %eq3A_71 : vector<2048x64xi1> to vector<2048x64xi32>
    %reduce_sum3A_73 = arith.constant dense<0> : vector<64xi32>
    %reduce_sum3A_74 = vector.multi_reduction <add>, %convert_element_type3A_72, %reduce_sum3A_73 [0] : vector<2048x64xi32> to vector<64xi32>
    %swap3A_75 = arith.constant 0 : index
    %swap3A_76 = arith.constant 0 : index
    %swap3A_77 = arith.constant 128 : index
    %swap3A_78 = vector.load %arg4[%swap3A_75, %swap3A_76, %swap3A_77] : memref<1x1x256xi32, #tpu.memory_space<vmem>>, vector<1x1x64xi32>
    %swap3A_79 = vector.shape_cast %swap3A_78 : vector<1x1x64xi32> to vector<64xi32>
    %swap3A_80 = vector.shape_cast %reduce_sum3A_74 : vector<64xi32> to vector<1x1x64xi32>
    tpu.vector_store %arg4[%swap3A_75, %swap3A_76, %swap3A_77], %swap3A_80 {strides = array<i32>} : memref<1x1x256xi32, #tpu.memory_space<vmem>>, vector<1x1x64xi32>,
    %slice3A_81 = vector.extract_strided_slice %dot_general3A_7 {offsets = [0, 96], sizes = [2048, 32], strides = [1, 1]} : vector<2048x128xf32> to vector<2048x32xf32>
    %neg3A_82 = arith.constant 0.000000e+00 : f32
    %neg3A_83 = vector.broadcast %neg3A_82 : f32 to vector<2048x32xf32>
    %neg3A_84 = arith.subf %neg3A_83, %slice3A_81 : vector<2048x32xf32>
    %concatenate3A_85 = tpu.concatenate %slice3A_81, %neg3A_84 in 1 : vector<2048x32xf32>, vector<2048x32xf32> -> vector<2048x64xf32>
    %argmax3A_86 = tpu.reduce_index %concatenate3A_85 {axis = 1 : i32, kind = #tpu.reduction_kind<arg_max>} : vector<2048x64xf32> -> vector<2048xi32>
    %add3A_87 = arith.constant 192 : i32
    %add3A_88 = vector.broadcast %add3A_87 : i32 to vector<2048xi32>
    %add3A_89 = arith.addi %argmax3A_86, %add3A_88 : vector<2048xi32>
    %swap3A_90 = arith.constant 0 : index
    %swap3A_91 = arith.constant 3 : index
    %swap3A_92 = arith.constant 0 : index
    %swap3A_93 = vector.load %arg3[%swap3A_90, %swap3A_91, %swap3A_92] : memref<1x4x2048xi32, #tpu.memory_space<vmem>>, vector<1x1x2048xi32>
    %swap3A_94 = vector.shape_cast %swap3A_93 : vector<1x1x2048xi32> to vector<2048xi32>
    %swap3A_95 = vector.shape_cast %add3A_89 : vector<2048xi32> to vector<1x1x2048xi32>
    tpu.vector_store %arg3[%swap3A_90, %swap3A_91, %swap3A_92], %swap3A_95 {strides = array<i32>} : memref<1x4x2048xi32, #tpu.memory_space<vmem>>, vector<1x1x2048xi32>,
    %broadcast_in_dim3A_96 = vector.shape_cast %argmax3A_86 : vector<2048xi32> to vector<2048x1xi32>
    %iota3A_97 = tpu.iota {dimensions = array<i32: 1>} : vector<2048x64xi32>
    %eq3A_98 = vector.broadcast %broadcast_in_dim3A_96 : vector<2048x1xi32> to vector<2048x64xi32>
    %eq3A_99 = arith.cmpi eq, %eq3A_98, %iota3A_97 : vector<2048x64xi32>
    %convert_element_type3A_100 = arith.extui %eq3A_99 : vector<2048x64xi1> to vector<2048x64xi32>
    %reduce_sum3A_101 = arith.constant dense<0> : vector<64xi32>
    %reduce_sum3A_102 = vector.multi_reduction <add>, %convert_element_type3A_100, %reduce_sum3A_101 [0] : vector<2048x64xi32> to vector<64xi32>
    %swap3A_103 = arith.constant 0 : index
    %swap3A_104 = arith.constant 0 : index
    %swap3A_105 = arith.constant 192 : index
    %swap3A_106 = vector.load %arg4[%swap3A_103, %swap3A_104, %swap3A_105] : memref<1x1x256xi32, #tpu.memory_space<vmem>>, vector<1x1x64xi32>
    %swap3A_107 = vector.shape_cast %swap3A_106 : vector<1x1x64xi32> to vector<64xi32>
    %swap3A_108 = vector.shape_cast %reduce_sum3A_102 : vector<64xi32> to vector<1x1x64xi32>
    tpu.vector_store %arg4[%swap3A_103, %swap3A_104, %swap3A_105], %swap3A_108 {strides = array<i32>} : memref<1x1x256xi32, #tpu.memory_space<vmem>>, vector<1x1x64xi32>,
    return
  }
  func.func @transform_0(%arg0: i32) -> (i32, i32, i32) {
    %c0_i32 = arith.constant 0 : i32
    %c0_i32_0 = arith.constant 0 : i32
    %c0_i32_1 = arith.constant 0 : i32
    return %arg0, %c0_i32, %c0_i32_0 : i32, i32, i32
  }
  func.func @transform_1(%arg0: i32) -> (i32, i32) {
    %c0_i32 = arith.constant 0 : i32
    %c0_i32_0 = arith.constant 0 : i32
    %c0_i32_1 = arith.constant 0 : i32
    return %c0_i32, %c0_i32_0 : i32, i32
  }
  func.func @transform_2(%arg0: i32) -> (i32, i32, i32) {
    %c0_i32 = arith.constant 0 : i32
    %c0_i32_0 = arith.constant 0 : i32
    %c0_i32_1 = arith.constant 0 : i32
    return %arg0, %c0_i32, %c0_i32_0 : i32, i32, i32
  }
  func.func @transform_3(%arg0: i32) -> (i32, i32, i32) {
    %c0_i32 = arith.constant 0 : i32
    %c0_i32_0 = arith.constant 0 : i32
    %c0_i32_1 = arith.constant 0 : i32
    return %arg0, %c0_i32, %c0_i32_0 : i32, i32, i32
  }
}

module attributes {stable_mosaic.version = 14 : i64} {
  func.func @_attn_body(%arg0: i32, %arg1: i32, %arg2: memref<256x320xf32, #tpu.memory_space<vmem>>, %arg3: memref<1x256x128xf32, #tpu.memory_space<vmem>>, %arg4: memref<1x64x128xf32, #tpu.memory_space<vmem>>, %arg5: memref<1x1x1x256xi32, #tpu.memory_space<vmem>>, %arg6: memref<1x1x1x64xi32, #tpu.memory_space<vmem>>, %arg7: memref<1x256x128xf32, #tpu.memory_space<vmem>>) attributes {dimension_semantics = [#tpu.dimension_semantics<arbitrary>, #tpu.dimension_semantics<arbitrary>], iteration_bounds = array<i64: 32, 32>, scalar_prefetch = 0 : i64, scratch_operands = 0 : i64, tpu.core_type = #tpu.core_type<tc>, window_params = [{pipeline_mode = #tpu.pipeline_mode<synchronous>, transform_indices = @transform_0, window_bounds = array<i64: 256, 320>}, {transform_indices = @transform_1, window_bounds = array<i64: 1, 256, 128>}, {transform_indices = @transform_2, window_bounds = array<i64: 1, 64, 128>}, {transform_indices = @transform_3, window_bounds = array<i64: 1, 1, 1, 256>}, {transform_indices = @transform_4, window_bounds = array<i64: 1, 1, 1, 64>}, {transform_indices = @transform_5, window_bounds = array<i64: 1, 256, 128>}]} {
    %get3A = arith.constant 0 : index
    %get3A_0 = arith.constant 0 : index
    %get3A_1 = arith.constant 0 : index
    %get3A_2 = vector.load %arg3[%get3A, %get3A_0, %get3A_1] : memref<1x256x128xf32, #tpu.memory_space<vmem>>, vector<1x256x128xf32>
    %get3A_3 = vector.shape_cast %get3A_2 : vector<1x256x128xf32> to vector<256x128xf32>
    %get3A_4 = arith.constant 0 : index
    %get3A_5 = arith.constant 0 : index
    %get3A_6 = arith.constant 0 : index
    %get3A_7 = vector.load %arg4[%get3A_4, %get3A_5, %get3A_6] : memref<1x64x128xf32, #tpu.memory_space<vmem>>, vector<1x64x128xf32>
    %get3A_8 = vector.shape_cast %get3A_7 : vector<1x64x128xf32> to vector<64x128xf32>
    %concatenate3A = tpu.concatenate %get3A_3, %get3A_8 in 0 : vector<256x128xf32>, vector<64x128xf32> -> vector<320x128xf32>
    %slice3A = vector.extract_strided_slice %concatenate3A {offsets = [0, 0], sizes = [320, 64], strides = [1, 1]} : vector<320x128xf32> to vector<320x64xf32>
    %slice3A_9 = vector.extract_strided_slice %concatenate3A {offsets = [0, 64], sizes = [320, 64], strides = [1, 1]} : vector<320x128xf32> to vector<320x64xf32>
    %get3A_10 = arith.constant 0 : index
    %get3A_11 = arith.constant 0 : index
    %get3A_12 = arith.constant 0 : index
    %get3A_13 = arith.constant 0 : index
    %get3A_14 = vector.load %arg5[%get3A_10, %get3A_11, %get3A_12, %get3A_13] : memref<1x1x1x256xi32, #tpu.memory_space<vmem>>, vector<1x1x1x256xi32>
    %get3A_15 = vector.shape_cast %get3A_14 : vector<1x1x1x256xi32> to vector<256xi32>
    %get3A_16 = arith.constant 0 : index
    %get3A_17 = arith.constant 0 : index
    %get3A_18 = arith.constant 0 : index
    %get3A_19 = arith.constant 0 : index
    %get3A_20 = vector.load %arg6[%get3A_16, %get3A_17, %get3A_18, %get3A_19] : memref<1x1x1x64xi32, #tpu.memory_space<vmem>>, vector<1x1x1x64xi32>
    %get3A_21 = vector.shape_cast %get3A_20 : vector<1x1x1x64xi32> to vector<64xi32>
    %concatenate3A_22 = tpu.concatenate %get3A_15, %get3A_21 in 0 : vector<256xi32>, vector<64xi32> -> vector<320xi32>
    %slice3A_23 = vector.extract_strided_slice %slice3A {offsets = [32, 0], sizes = [256, 64], strides = [1, 1]} : vector<320x64xf32> to vector<256x64xf32>
    %mul3A = arith.constant 1.250000e-01 : f32
    %mul3A_24 = vector.broadcast %mul3A : f32 to vector<256x64xf32>
    %mul3A_25 = arith.mulf %slice3A_23, %mul3A_24 : vector<256x64xf32>
    %slice3A_26 = vector.extract_strided_slice %concatenate3A_22 {offsets = [32], sizes = [256], strides = [1]} : vector<320xi32> to vector<256xi32>
    %dot_general3A = arith.constant dense<0.000000e+00> : vector<256x320xf32>
    %dot_general3A_27 = tpu.matmul %mul3A_25, %slice3A, %dot_general3A {dimension_numbers = #tpu.dot_dimension_numbers<[1], [1], [0], [0], [0, 0, 1, 0], [], []>, transpose_lhs_hint = false} : vector<256x64xf32>, vector<320x64xf32>, vector<256x320xf32> -> vector<256x320xf32>
    %get3A_28 = arith.constant 0 : index
    %get3A_29 = arith.constant 0 : index
    %get3A_30 = vector.load %arg2[%get3A_28, %get3A_29] : memref<256x320xf32, #tpu.memory_space<vmem>>, vector<256x320xf32>
    %broadcast_in_dim3A = vector.shape_cast %slice3A_26 : vector<256xi32> to vector<256x1xi32>
    %broadcast_in_dim3A_31 = vector.shape_cast %concatenate3A_22 : vector<320xi32> to vector<1x320xi32>
    %eq3A = vector.broadcast %broadcast_in_dim3A : vector<256x1xi32> to vector<256x320xi32>
    %eq3A_32 = vector.broadcast %broadcast_in_dim3A_31 : vector<1x320xi32> to vector<256x320xi32>
    %eq3A_33 = arith.cmpi eq, %eq3A, %eq3A_32 : vector<256x320xi32>
    %convert_element_type3A = arith.extui %eq3A_33 : vector<256x320xi1> to vector<256x320xi32>
    %convert_element_type3A_34 = arith.sitofp %convert_element_type3A : vector<256x320xi32> to vector<256x320xf32>
    %mul3A_35 = arith.constant 1.000000e+05 : f32
    %mul3A_36 = vector.broadcast %mul3A_35 : f32 to vector<256x320xf32>
    %mul3A_37 = arith.mulf %mul3A_36, %convert_element_type3A_34 : vector<256x320xf32>
    %sub3A = arith.subf %get3A_30, %mul3A_37 : vector<256x320xf32>
    %add3A = arith.addf %dot_general3A_27, %sub3A : vector<256x320xf32>
    %exp3A = math.exp %add3A : vector<256x320xf32>
    %reduce_sum3A = arith.constant dense<0.000000e+00> : vector<256xf32>
    %reduce_sum3A_38 = vector.multi_reduction <add>, %exp3A, %reduce_sum3A [1] : vector<256x320xf32> to vector<256xf32>
    %broadcast_in_dim3A_39 = vector.shape_cast %reduce_sum3A_38 : vector<256xf32> to vector<256x1xf32>
    %dot_general3A_40 = arith.constant dense<0.000000e+00> : vector<256x64xf32>
    %dot_general3A_41 = tpu.matmul %exp3A, %slice3A_9, %dot_general3A_40 {dimension_numbers = #tpu.dot_dimension_numbers<[1], [0], [0], [1], [0, 0, 1, 1], [], []>, transpose_lhs_hint = false} : vector<256x320xf32>, vector<320x64xf32>, vector<256x64xf32> -> vector<256x64xf32>
    %div3A = vector.broadcast %broadcast_in_dim3A_39 : vector<256x1xf32> to vector<256x64xf32>
    %div3A_42 = arith.divf %dot_general3A_41, %div3A : vector<256x64xf32>
    %log3A = math.log %broadcast_in_dim3A_39 : vector<256x1xf32>
    %broadcast_in_dim3A_43 = vector.shape_cast %log3A : vector<256x1xf32> to vector<256x1xf32>
    %broadcast_in_dim3A_44 = vector.broadcast %broadcast_in_dim3A_43 : vector<256x1xf32> to vector<256x64xf32>
    %concatenate3A_45 = tpu.concatenate %div3A_42, %broadcast_in_dim3A_44 in 1 : vector<256x64xf32>, vector<256x64xf32> -> vector<256x128xf32>
    %swap3A = arith.constant 0 : index
    %swap3A_46 = arith.constant 0 : index
    %swap3A_47 = arith.constant 0 : index
    %swap3A_48 = vector.load %arg7[%swap3A, %swap3A_46, %swap3A_47] : memref<1x256x128xf32, #tpu.memory_space<vmem>>, vector<1x256x128xf32>
    %swap3A_49 = vector.shape_cast %swap3A_48 : vector<1x256x128xf32> to vector<256x128xf32>
    %swap3A_50 = vector.shape_cast %concatenate3A_45 : vector<256x128xf32> to vector<1x256x128xf32>
    tpu.vector_store %arg7[%swap3A, %swap3A_46, %swap3A_47], %swap3A_50 {strides = array<i32>} : memref<1x256x128xf32, #tpu.memory_space<vmem>>, vector<1x256x128xf32>,
    return
  }
  func.func @transform_0(%arg0: i32, %arg1: i32) -> (i32, i32) {
    %c0_i32 = arith.constant 0 : i32
    %c0_i32_0 = arith.constant 0 : i32
    %c0_i32_1 = arith.constant 0 : i32
    return %c0_i32, %c0_i32_0 : i32, i32
  }
  func.func @transform_1(%arg0: i32, %arg1: i32) -> (i32, i32, i32) {
    %c0_i32 = arith.constant 0 : i32
    %c0_i32_0 = arith.constant 0 : i32
    return %arg0, %arg1, %c0_i32 : i32, i32, i32
  }
  func.func @transform_2(%arg0: i32, %arg1: i32) -> (i32, i32, i32) {
    %mul3A = arith.constant 4 : i32
    %mul3A_0 = arith.muli %mul3A, %arg1 : i32
    %add3A = arith.constant 4 : i32
    %add3A_1 = arith.addi %mul3A_0, %add3A : i32
    %c0_i32 = arith.constant 0 : i32
    %c0_i32_2 = arith.constant 0 : i32
    return %arg0, %add3A_1, %c0_i32 : i32, i32, i32
  }
  func.func @transform_3(%arg0: i32, %arg1: i32) -> (i32, i32, i32, i32) {
    %c0_i32 = arith.constant 0 : i32
    %c0_i32_0 = arith.constant 0 : i32
    %c0_i32_1 = arith.constant 0 : i32
    return %arg0, %arg1, %c0_i32, %c0_i32_0 : i32, i32, i32, i32
  }
  func.func @transform_4(%arg0: i32, %arg1: i32) -> (i32, i32, i32, i32) {
    %mul3A = arith.constant 4 : i32
    %mul3A_0 = arith.muli %mul3A, %arg1 : i32
    %add3A = arith.constant 4 : i32
    %add3A_1 = arith.addi %mul3A_0, %add3A : i32
    %c0_i32 = arith.constant 0 : i32
    %c0_i32_2 = arith.constant 0 : i32
    %c0_i32_3 = arith.constant 0 : i32
    return %arg0, %add3A_1, %c0_i32, %c0_i32_2 : i32, i32, i32, i32
  }
  func.func @transform_5(%arg0: i32, %arg1: i32) -> (i32, i32, i32) {
    %c0_i32 = arith.constant 0 : i32
    %c0_i32_0 = arith.constant 0 : i32
    return %arg0, %arg1, %c0_i32 : i32, i32, i32
  }
}

module attributes {stable_mosaic.version = 14 : i64} {
  func.func @_combine_body(%arg0: i32, %arg1: i32, %arg2: memref<1x4x1024x128xf32, #tpu.memory_space<vmem>>, %arg3: memref<1x1024x64xf32, #tpu.memory_space<vmem>>) attributes {dimension_semantics = [#tpu.dimension_semantics<arbitrary>, #tpu.dimension_semantics<arbitrary>], iteration_bounds = array<i64: 32, 2>, scalar_prefetch = 0 : i64, scratch_operands = 0 : i64, tpu.core_type = #tpu.core_type<tc>, window_params = [{transform_indices = @transform_0, window_bounds = array<i64: 1, 4, 1024, 128>}, {transform_indices = @transform_1, window_bounds = array<i64: 1, 1024, 64>}]} {
    %get3A = arith.constant 0 : index
    %get3A_0 = arith.constant 0 : index
    %get3A_1 = arith.constant 0 : index
    %get3A_2 = arith.constant 0 : index
    %get3A_3 = vector.load %arg2[%get3A, %get3A_0, %get3A_1, %get3A_2] : memref<1x4x1024x128xf32, #tpu.memory_space<vmem>>, vector<1x4x1024x128xf32>
    %get3A_4 = vector.shape_cast %get3A_3 : vector<1x4x1024x128xf32> to vector<4x1024x128xf32>
    %slice3A = vector.extract_strided_slice %get3A_4 {offsets = [0, 0, 0], sizes = [4, 1024, 64], strides = [1, 1, 1]} : vector<4x1024x128xf32> to vector<4x1024x64xf32>
    %slice3A_5 = vector.extract_strided_slice %get3A_4 {offsets = [0, 0, 64], sizes = [4, 1024, 64], strides = [1, 1, 1]} : vector<4x1024x128xf32> to vector<4x1024x64xf32>
    %reduce_max3A = arith.constant dense<0xFF800000> : vector<1024x64xf32>
    %reduce_max3A_6 = vector.multi_reduction <maximumf>, %slice3A_5, %reduce_max3A [0] : vector<4x1024x64xf32> to vector<1024x64xf32>
    %broadcast_in_dim3A = vector.shape_cast %reduce_max3A_6 : vector<1024x64xf32> to vector<1x1024x64xf32>
    %sub3A = vector.broadcast %broadcast_in_dim3A : vector<1x1024x64xf32> to vector<4x1024x64xf32>
    %sub3A_7 = arith.subf %slice3A_5, %sub3A : vector<4x1024x64xf32>
    %exp3A = math.exp %sub3A_7 : vector<4x1024x64xf32>
    %reduce_sum3A = arith.constant dense<0.000000e+00> : vector<1024x64xf32>
    %reduce_sum3A_8 = vector.multi_reduction <add>, %exp3A, %reduce_sum3A [0] : vector<4x1024x64xf32> to vector<1024x64xf32>
    %broadcast_in_dim3A_9 = vector.shape_cast %reduce_sum3A_8 : vector<1024x64xf32> to vector<1x1024x64xf32>
    %div3A = vector.broadcast %broadcast_in_dim3A_9 : vector<1x1024x64xf32> to vector<4x1024x64xf32>
    %div3A_10 = arith.divf %exp3A, %div3A : vector<4x1024x64xf32>
    %mul3A = arith.mulf %div3A_10, %slice3A : vector<4x1024x64xf32>
    %reduce_sum3A_11 = arith.constant dense<0.000000e+00> : vector<1024x64xf32>
    %reduce_sum3A_12 = vector.multi_reduction <add>, %mul3A, %reduce_sum3A_11 [0] : vector<4x1024x64xf32> to vector<1024x64xf32>
    %swap3A = arith.constant 0 : index
    %swap3A_13 = arith.constant 0 : index
    %swap3A_14 = arith.constant 0 : index
    %swap3A_15 = vector.load %arg3[%swap3A, %swap3A_13, %swap3A_14] : memref<1x1024x64xf32, #tpu.memory_space<vmem>>, vector<1x1024x64xf32>
    %swap3A_16 = vector.shape_cast %swap3A_15 : vector<1x1024x64xf32> to vector<1024x64xf32>
    %swap3A_17 = vector.shape_cast %reduce_sum3A_12 : vector<1024x64xf32> to vector<1x1024x64xf32>
    tpu.vector_store %arg3[%swap3A, %swap3A_13, %swap3A_14], %swap3A_17 {strides = array<i32>} : memref<1x1024x64xf32, #tpu.memory_space<vmem>>, vector<1x1024x64xf32>,
    return
  }
  func.func @transform_0(%arg0: i32, %arg1: i32) -> (i32, i32, i32, i32) {
    %c0_i32 = arith.constant 0 : i32
    %c0_i32_0 = arith.constant 0 : i32
    %c0_i32_1 = arith.constant 0 : i32
    return %arg0, %c0_i32, %arg1, %c0_i32_0 : i32, i32, i32, i32
  }
  func.func @transform_1(%arg0: i32, %arg1: i32) -> (i32, i32, i32) {
    %c0_i32 = arith.constant 0 : i32
    %c0_i32_0 = arith.constant 0 : i32
    return %arg0, %arg1, %c0_i32 : i32, i32, i32
  }
}

</mosaic_0001>

<sc_bundles>
// kernel: kernel.10.cloned.1.call-start
scs
__scs_entry_jumppad:
0x0: {  	(pc) =	sbr.rel $0x88, $3  }
0x1: {  	(tag) =	ssettag $0x0;
	lr =	simm.s32 $0x1  }
0x2: {  	[smem:$0x3F9E] =	sst lr;
	_ =	strace $0xD0000000  }
0x3: {  	_ = 	snop  }
0x4: {  	_ = 	snop  }
0x5: {  	_ = 	snop  }
0x6: {  	_ = 	snop  }
0x7: {  	_ = 	snop  }
__scs_overlays_trampoline_lowered:
0x8: {  	[smem:$0x3FAD] =	sst s0  }
0x9: {  	[smem:$0x3FAE] =	sst s1  }
0xa: {  	[smem:$0x3FAF] =	sst s2  }
0xb: {  	[smem:$0x3FB0] =	sst s3  }
0xc: {  	[smem:$0x3FB1] =	sst s4  }
0xd: {  	[smem:$0x3FB2] =	sst s5  }
0xe: {  	[smem:$0x3FB3] =	sst s6  }
0xf: {  	[smem:$0x3FB4] =	sst s7  }
0x10: {  	[smem:$0x3FB5] =	sst s8  }
0x11: {  	[smem:$0x3FB6] =	sst s9;
	s0 =	simm.s32 @!p0 $0x0  }
0x12: {  	s1 =	sld [smem:$0x3F9C];
	s0 =	simm.s32 @p0 $0x1  }
0x13: {  	[smem:$0x3FB7] =	sst s0;
	s0 =	simm.s32 @!p1 $0x0  }
0x14: {  	s2 =	sld [smem:$0x3F9B];
	s0 =	simm.s32 @p1 $0x1  }
0x15: {  	[smem:$0x3FB8] =	sst s0;
	s0 =	simm.s32 @!p2 $0x0  }
0x16: {  	s3 =	sld [smem:$0x3FDB];
	s0 =	simm.s32 @p2 $0x1  }
0x17: {  	s4 =	simm.s32 $0x1BF5;
	[smem:$0x3FBA] =	sst s0  }
0x18: {  	s0 =	sld [smem:$0x3F9D];
	_ =	swait.ge [sflag:s4], $0x0  }
0x19: {  	s7 =	sld [smem:$0x3F9E]  }
0x1a: {  	s8 =	sadd.s32 $0xFFFFE003, lr  }
0x1b: {  	s9 =	sadd.s32 $0xFFFFFEF7, lr;
	s5 =	simm.s32 $0xFFFFFFFF;
	p2 =	slt.u32 s8, $0xFFFFF086  }
0x1c: {  	p1 =	slt.u32 s9, $0xF7A;
	s5 =	simm.s32 @!p2 $0x0  }
0x1d: {  	s5 =	simm.s32 @p1 $0x1;
	p0 =	seq.s32 s7, s2  }
0x1e: {  	s7 =	smul.u32 @!p0 $0xF7A, s2;
	p2 =	seq.s32 @!p0 s5, $0x0  }
0x1f: {  	s9 =	smul.u32 $0xF7A, s1;
	s8 =	simm.s32 @!p0 $0x1BF5;
	p2 =	por !p2, p0  }
0x20: {  	[sflag:s8] =	ssyncset.s32 @!p0 $0xFFFFF086;
	s6 =	sadd.s32 @!p0 s3, s7;
	s7 =	simm.s32 @!p0 $0x108  }
0x21: {  	s3 =	sadd.s32 s3, s9;
	s6 =	sadd.s32 @!p0 $0x88, s6;
	s7 =	simm.s32 @p2 $0x1082  }
0x22: {  	[simem:s7], [sflag:s8] =	dma.local @!p0 [hbm:s6], $0xF7A  }
0x23: {  	s9 =	sor.u32 $0xD0000000, s2;
	s6 =	simm.s32 $0x108;
	_ =	swait.ge @!p0 [sflag:s8], $0x0  }
0x24: {  	s3 =	sadd.s32 $0x88, s3;
	s6 =	simm.s32 @!p1 $0x1082;
	[sflag:s4] =	ssyncset.s32 $0xFFFFF086  }
0x25: {  	[simem:s6], [sflag:s4] =	dma.local [hbm:s3], $0xF7A  }
0x26: {  	[smem:$0x3F9E] =	sst s1;
	(tag) =	ssettag s2;
	_ =	strace s9  }
0x27: {  	s1 =	sld [smem:$0x3FAE]  }
0x28: {  	s2 =	sld [smem:$0x3FAF]  }
0x29: {  	s4 =	sld [smem:$0x3FB1]  }
0x2a: {  	p0 =	seq.s32 s5, $0x0;
	s5 =	sld [smem:$0x3FB2]  }
0x2b: {  	s6 =	sld [smem:$0x3FB3]  }
0x2c: {  	s7 =	sld [smem:$0x3FB4]  }
0x2d: {  	s3 =	simm.s32 $0x108;
	s8 =	sld [smem:$0x3FB5]  }
0x2e: {  	s3 =	simm.s32 @!p0 $0x1082;
	s9 =	sld [smem:$0x3FB6]  }
0x2f: {  	lr =	sadd.s32 s0, s3;
	s0 =	sld [smem:$0x3FAD]  }
0x30: {  	s3 =	sld [smem:$0x3FB0]  }
0x31: {  	[smem:$0x3FB9] =	sst s10  }
0x32: {  	s10 =	sld [smem:$0x3FB7];
	_ =	sdelay $0x3  }
0x33: {  	p0 =	seq.s32 s10, $0x1;
	s10 =	sld [smem:$0x3FB9];
	_ =	sdelay $0x3  }
0x34: {  	[smem:$0x3FB9] =	sst s10  }
0x35: {  	s10 =	sld [smem:$0x3FB8];
	_ =	sdelay $0x3  }
0x36: {  	p1 =	seq.s32 s10, $0x1;
	s10 =	sld [smem:$0x3FB9];
	_ =	sdelay $0x3  }
0x37: {  	[smem:$0x3FB9] =	sst s10  }
0x38: {  	s10 =	sld [smem:$0x3FBA]  }
0x39: {  	_ = 	snop;
	(pc) =	sbr.ind lr, $3  }
0x3a: {  	_ = 	snop  }
0x3b: {  	_ = 	snop  }
0x3c: {  	p2 =	seq.s32 s10, $0x1;
	s10 =	sld [smem:$0x3FB9]  }
0x3d: {  	_ =	shalt  }
0x3e: {  	_ =	shalt  }
0x3f: {  	_ =	shalt  }
0x40: {  	_ =	shalt  }
0x41: {  	_ =	shalt  }
0x42: {  	_ =	shalt  }
0x43: {  	_ =	shalt  }
0x44: {  	_ =	shalt  }
0x45: {  	_ =	shalt  }
0x46: {  	_ =	shalt  }
0x47: {  	_ =	shalt  }
0x48: {  	_ =	shalt  }
0x49: {  	_ =	shalt  }
0x4a: {  	_ =	shalt  }
0x4b: {  	_ =	shalt  }
0x4c: {  	_ =	shalt  }
0x4d: {  	_ =	shalt  }
0x4e: {  	_ =	shalt  }
0x4f: {  	_ =	shalt  }
0x50: {  	_ =	shalt  }
0x51: {  	_ =	shalt  }
0x52: {  	_ =	shalt  }
0x53: {  	_ =	shalt  }
0x54: {  	_ =	shalt  }
0x55: {  	_ =	shalt  }
0x56: {  	_ =	shalt  }
0x57: {  	_ =	shalt  }
0x58: {  	_ =	shalt  }
0x59: {  	_ =	shalt  }
0x5a: {  	_ =	shalt  }
0x5b: {  	_ =	shalt  }
0x5c: {  	_ =	shalt  }
0x5d: {  	_ =	shalt  }
0x5e: {  	_ =	shalt  }
0x5f: {  	_ =	shalt  }
0x60: {  	_ =	shalt  }
0x61: {  	_ =	shalt  }
0x62: {  	_ =	shalt  }
0x63: {  	_ =	shalt  }
0x64: {  	_ =	shalt  }
0x65: {  	_ =	shalt  }
0x66: {  	_ =	shalt  }
0x67: {  	_ =	shalt  }
0x68: {  	_ =	shalt  }
0x69: {  	_ =	shalt  }
0x6a: {  	_ =	shalt  }
0x6b: {  	_ =	shalt  }
0x6c: {  	_ =	shalt  }
0x6d: {  	_ =	shalt  }
0x6e: {  	_ =	shalt  }
0x6f: {  	_ =	shalt  }
0x70: {  	_ =	shalt  }
0x71: {  	_ =	shalt  }
0x72: {  	_ =	shalt  }
0x73: {  	_ =	shalt  }
0x74: {  	_ =	shalt  }
0x75: {  	_ =	shalt  }
0x76: {  	_ =	shalt  }
0x77: {  	_ =	shalt  }
0x78: {  	_ =	shalt  }
0x79: {  	_ =	shalt  }
0x7a: {  	_ =	shalt  }
0x7b: {  	_ =	shalt  }
0x7c: {  	_ =	shalt  }
0x7d: {  	_ =	shalt  }
0x7e: {  	_ =	shalt  }
0x7f: {  	_ =	shalt  }
0x80: {  	_ =	shalt  }
0x81: {  	_ =	shalt  }
0x82: {  	_ =	shalt  }
0x83: {  	_ =	shalt  }
0x84: {  	_ =	shalt  }
0x85: {  	_ =	shalt  }
0x86: {  	_ =	shalt  }
0x87: {  	_ =	shalt  }
.Lfunc_end0:
.L_simem_size_0:
called_computation.1_lowered:
.L_overlay_start_0:
0x88: {  	s2 =	sld [smem:$0x3FD9]  }
0x89: {  	s3 =	sld [smem:$0x3FFE];
	_ =	sdelay $0x1  }
0x8a: {  	s1 =	srdreg.scid  }
0x8b: {  	s0 =	sand.u32 $0x1, s1  }
0x8c: {  	s16 =	sshll.u32 s0, $0xA;
	s2 =	sadd.s32 s3, s2  }
0x8d: {  	s2 =	sadd.s32 s2, s16  }
0x8e: {  	[smem:$0x3FC5] =	sst s2  }
0x8f: {  	_ = 	snop  }
0x90: {  	(tm) =	ssettm $0x1  }
0x91: {  	s17 =	sld [smem:$0x3FFB];
	_ =	sdelay $0x3  }
0x92: {  	_ =	strace s17  }
0x93: {  	s2 =	sld [smem:$0x3FFC];
	_ =	sdelay $0x3  }
0x94: {  	_ =	strace s2  }
0x95: {  	s2 =	sld [smem:$0x3FFD];
	_ =	sdelay $0x3  }
0x96: {  	_ =	strace s2  }
0x97: {  	_ =	strace $0x8FFFFFFF  }
0x98: {  	s18 =	sld [smem:$0x3FDB];
	_ =	sdelay $0x1  }
0x99: {  	s19 =	simm.s32 $_scs_section_size  }
0x9a: {  	s4 =	simm.s32 $_size__tile_overlayer_lowered;
	s5 =	simm.s32 $_tile_overlayer_lowered  }
0x9b: {  	s22 =	simm.s32 $0x1BFF;
	s21 =	sshll.u32 s5, $0x1;
	s2 =	sadd.s32 s19, s18  }
0x9c: {  	s6 =	simm.s32 $0x0;
	s20 =	sshll.u32 s4, $0x1;
	s4 =	sadd.s32 s21, s2  }
0x9d: {  	[timem:s6], [sflag:s22] =	dma.local [hbm:s4], s20  }
0x9e: {  	_ =	swait.ge [sflag:s22], s20  }
0x9f: {  	s3 =	ssub.s32 $0x0, s20;
	[sflag:s22] =	ssyncset.done $0x0  }
0xa0: {  	[sflag:s22] =	ssyncadd.s32 s3;
	_ =	sdelay $0x1  }
0xa1: {  	s23 =	simm.s32 $0x1B8B  }
0xa2: {  	_ =	swait.ge [sflag:s23], $0x1  }
0xa3: {  	[sflag:s23] =	ssyncset.done $0x0  }
0xa4: {  	s25 =	simm.s32 $0x1B8E;
	s24 =	sld [smem:$0x3FFE];
	[sflag:s23] =	ssyncadd.s32 $0xFFFFFFFF  }
0xa5: {  	s26 =	simm.s32 $execute0_lowered;
	[smem:$0x3FD2] =	sst s25  }
0xa6: {  	s4 =	sshll.u32 s26, $0x1;
	_ =	strace $0x80000049;
	[dreg:$0x1] =	wrdreg $0xFFFFFFFF  }
0xa7: {  	s28 =	simm.s32 $_size_execute0_lowered;
	s2 =	sadd.s32 s2, s4;
	[dreg:$0x0] =	wrdreg $0x0  }
0xa8: {  	s4 =	sshll.u32 s28, $0x1;
	[dreg:$0x2] =	wrdreg s2  }
0xa9: {  	[dreg:$0x3] =	wrdreg s4  }
0xaa: {  	[dreg:$0x4] =	wrdreg $0xC0  }
0xab: {  	_ =	task [dreg:s6], $0x5FFFF  }
0xac: {  	[dreg:$0x1] =	wrdreg $0xFFFFFFFF  }
0xad: {  	[dreg:$0x0] =	wrdreg $0x60  }
0xae: {  	[dreg:$0x2] =	wrdreg s24  }
0xaf: {  	[dreg:$0x3] =	wrdreg $0x9  }
0xb0: {  	_ =	task.clear_ibuf [dreg:s6], $0x4FFFF;
	_ =	strace $0x90000049  }
0xb1: {  	s29 =	simm.s32 $0x9;
	_ =	strace $0x8000004B  }
0xb2: {  	_ =	swait.ge [sflag:s29], $0x1  }
0xb3: {  	[sflag:s29] =	ssyncadd.s32 $0xFFFFFFFF  }
0xb4: {  	_ =	strace $0x9000004B  }
0xb5: {  	_ =	sfence  }
0xb6: {  	s30 =	sld [smem:$0x0];
	_ =	sdelay $0x2  }
0xb7: {  	s31 =	sshll.u32 s1, $0xD;
	s1 =	sshrl.u32 s1, $0x2  }
0xb8: {  	s3 =	sand.u32 $0x4000, s31;
	s1 =	sadd.s32 s1, s30  }
0xb9: {  	s0 =	sor.u32 s3, s0;
	s1 =	sshll.u32 s1, $0x11  }
0xba: {  	s0 =	sor.u32 s1, s0  }
0xbb: {  	s0 =	sadd.s32 $0x8F2B, s0  }
0xbc: {  	[sflag:s0] =	ssyncadd.remote.s32 $0x1  }
0xbd: {  	_ =	sfence.sel $0xFFFF  }
0xbe: {  	[dreg:$0x0] =	wrdreg $0xFFFFFFFF;
	(pc) =	sbr.abs _section_cstart, $3  }
0xbf: {  	[dreg:$0x1] =	wrdreg $0xFFFFFFFF  }
0xc0: {  	_ =	task.clear_ibuf [dreg:s6], $0x2FFFF;
	_ =	strace $0x9FFFFFFF  }
0xc1: {  	(tm) =	ssettm $0x7FFFFFFF  }
tec
execute0_lowered:
.L_overlay_start_1:
0x0: {  	(tag) =	ssettag $0x1  }
0x1: {  	s4 =	rddreg [dreg:$0x0]  }
0x2: {  	s0 =	rddreg [dreg:$0x1];
	s3 =	srdreg.scid  }
0x3: {  	s2 =	simm.s32 $0x0;
	s1 =	stileid.u32;
	s11 =	simm.s32 $0x1  }
0x4: {  	s12 =	simm.s32 $0x0;
	s5 =	sand.u32 $0x1, s3;
	[smem:$0x7FF] =	sst s2  }
0x5: {  	s6 =	sshll.u32 s1, $0xE;
	s3 =	sadd.s32 $0x72A800, s4;
	s30 =	sshll.u32 s1, $0x12  }
0x6: {  	s7 =	sshll.u32 s5, $0xD;
	_ =	strace $0x8000004A;
	s8 =	ssub.s32 $0x2, s5  }
0x7: {  	s5 =	sshll.u32 s5, $0x11;
	s10 =	sor.u32 s7, s6;
	s9 =	sshrl.u32 s8, $0x1  }
0x8: {  	s7 =	sadd.s32 s30, s4;
	s6 =	sshrl.u32 s10, $0x3;
	s31 =	ssub.s32 s8, s9  }
0x9: {  	s7 =	sadd.s32 s5, s7;
	s8 =	simm.s32 $0x80;
	s9 =	simm.s32 $0x2000  }
0xa: {  	v0 =	vmov s10;
	s10 =	simm.s32 $0x2080;
	s4 =	sadd.s32 s6, s4;
	s5 =	smax.u32 s31, $0x1  }
0xb: {  	s6 =	sadd.s32 $0xA400, s7;
	s7 =	simm.s32 $0x2;
	s4 =	sadd.s32 $0x2400, s4  }
.LBB2_1:
0xc: {  	[tilespmem:s2], [sflag:$0x2] =	stream.linear.gather [hbm4b:s4+s2], $0x2000, $0x38;
	[tilespmem:$0x6080] =	vst v63  }
0xd: {  	_ =	swait.ge [sflag:s7], $0x2000  }
0xe: {  	[sflag:s7] =	ssyncset.done $0x0  }
0xf: {  	s13 =	simm.s32 $0x40;
	[sflag:s7] =	ssyncadd.s32 $0xFFFFE000  }
0x10: {  	v1 =	vld [tilespmem:s13+$0xFFFFFFC0];
	_ =	sdelay $0x4  }
0x11: {  	v1 =	vadd.s32 v0, v1  }
0x12: {  	[tilespmem:$0x2000] =	vst v1  }
0x13: {  	v1 =	vld [tilespmem:s13+$0xFFFFFFD0];
	_ =	sdelay $0x4  }
0x14: {  	v1 =	vadd.s32 v0, v1  }
0x15: {  	[tilespmem:$0x2010] =	vst v1  }
0x16: {  	v1 =	vld [tilespmem:s13+$0xFFFFFFE0];
	_ =	sdelay $0x4  }
0x17: {  	v1 =	vadd.s32 v0, v1  }
0x18: {  	[tilespmem:$0x2020] =	vst v1  }
0x19: {  	v1 =	vld [tilespmem:s13+$0xFFFFFFF0];
	_ =	sdelay $0x4  }
0x1a: {  	v1 =	vadd.s32 v0, v1  }
0x1b: {  	[tilespmem:$0x2030] =	vst v1  }
0x1c: {  	v1 =	vld [tilespmem:s13+$0x0];
	_ =	sdelay $0x4  }
0x1d: {  	v1 =	vadd.s32 v0, v1  }
0x1e: {  	[tilespmem:$0x2040] =	vst v1  }
0x1f: {  	v1 =	vld [tilespmem:s13+$0x10];
	_ =	sdelay $0x4  }
0x20: {  	v1 =	vadd.s32 v0, v1  }
0x21: {  	[tilespmem:$0x2050] =	vst v1  }
0x22: {  	v1 =	vld [tilespmem:s13+$0x20];
	_ =	sdelay $0x4  }
0x23: {  	v1 =	vadd.s32 v0, v1  }
0x24: {  	[tilespmem:$0x2060] =	vst v1  }
0x25: {  	v1 =	vld [tilespmem:s13+$0x30];
	_ =	sdelay $0x4  }
0x26: {  	v1 =	vadd.s32 v0, v1  }
0x27: {  	[tilespmem:$0x2070] =	vst v1  }
0x28: {  	[tilespmem:s10], [sflag:$0x1] =	stream.indirect.gather [hbm4b:s3+s8], $0x80, s9, s8, $0xb8;
	[tilespmem:$0x6080] =	vst v63  }
0x29: {  	_ =	swait.ge [sflag:s11], $0x4000  }
0x2a: {  	[sflag:s11] =	ssyncset.done $0x0  }
0x2b: {  	s14 =	sadd.s32 $0x0, s6;
	[sflag:s11] =	ssyncadd.s32 $0xFFFFC000  }
0x2c: {  	[hbm4b:s14+s2] =	stream.linear.scatter [tilespmem:s10], [sflag:$0x2], $0x4000, $0x38;
	[tilespmem:$0x6080] =	vst v63  }
0x2d: {  	_ =	swait.ge [sflag:s7], $0x4000  }
0x2e: {  	s14 =	simm.s32 $0x800;
	[sflag:s7] =	ssyncset.done $0x0  }
.LBB2_2:
0x2f: {  	p0 =	sne.s32 s14, $0x1F800;
	[sflag:s7] =	ssyncadd.s32 $0xFFFFC000;
	s13 =	sadd.s32 $0x80, s13  }
0x30: {  	s15 =	smov.u32 s14;
	s14 =	sadd.s32 $0x800, s14;
	v1 =	vld [tilespmem:s13+$0xFFFFFFC0];
	_ =	sdelay $0x4  }
0x31: {  	v1 =	vadd.s32 v0, v1  }
0x32: {  	[tilespmem:$0x2000] =	vst v1  }
0x33: {  	v1 =	vld [tilespmem:s13+$0xFFFFFFD0];
	_ =	sdelay $0x4  }
0x34: {  	v1 =	vadd.s32 v0, v1  }
0x35: {  	[tilespmem:$0x2010] =	vst v1  }
0x36: {  	v1 =	vld [tilespmem:s13+$0xFFFFFFE0];
	_ =	sdelay $0x4  }
0x37: {  	v1 =	vadd.s32 v0, v1  }
0x38: {  	[tilespmem:$0x2020] =	vst v1  }
0x39: {  	v1 =	vld [tilespmem:s13+$0xFFFFFFF0];
	_ =	sdelay $0x4  }
0x3a: {  	v1 =	vadd.s32 v0, v1  }
0x3b: {  	[tilespmem:$0x2030] =	vst v1  }
0x3c: {  	v1 =	vld [tilespmem:s13+$0x0];
	_ =	sdelay $0x4  }
0x3d: {  	v1 =	vadd.s32 v0, v1  }
0x3e: {  	[tilespmem:$0x2040] =	vst v1  }
0x3f: {  	v1 =	vld [tilespmem:s13+$0x10];
	_ =	sdelay $0x4  }
0x40: {  	v1 =	vadd.s32 v0, v1  }
0x41: {  	[tilespmem:$0x2050] =	vst v1  }
0x42: {  	v1 =	vld [tilespmem:s13+$0x20];
	_ =	sdelay $0x4  }
0x43: {  	v1 =	vadd.s32 v0, v1  }
0x44: {  	[tilespmem:$0x2060] =	vst v1  }
0x45: {  	v1 =	vld [tilespmem:s13+$0x30];
	_ =	sdelay $0x4  }
0x46: {  	v1 =	vadd.s32 v0, v1  }
0x47: {  	[tilespmem:$0x2070] =	vst v1  }
0x48: {  	[tilespmem:s10], [sflag:$0x1] =	stream.indirect.gather [hbm4b:s3+s8], $0x80, s9, s8, $0xb8;
	[tilespmem:$0x6080] =	vst v63  }
0x49: {  	_ =	swait.ge [sflag:s11], $0x4000  }
.Ltmp0:
0x4a: {  	[sflag:s11] =	ssyncset.done $0x0;
	(pc) =	sbr.rel @p0 .LBB2_2-.Ltmp0, $4  }
0x4b: {  	s15 =	sadd.s32 s15, s6;
	[sflag:s11] =	ssyncadd.s32 $0xFFFFC000  }
0x4c: {  	[hbm4b:s15+s2] =	stream.linear.scatter [tilespmem:s10], [sflag:$0x2], $0x4000, $0x38;
	[tilespmem:$0x6080] =	vst v63  }
0x4d: {  	_ =	swait.ge [sflag:s7], $0x4000  }
0x4e: {  	[sflag:s7] =	ssyncset.done $0x0  }
0x4f: {  	s12 =	sadd.s32 $0x1, s12  }
0x50: {  	p0 =	sne.s32 s12, s5  }
.Ltmp1:
0x51: {  	_ = 	snop;
	(pc) =	sbr.rel @p0 .LBB2_1-.Ltmp1, $2  }
0x52: {  	_ =	sdelay $0x2  }
0x53: {  	[sflag:s7] =	ssyncadd.s32 $0xFFFFC000  }
0x54: {  	_ =	sfence.sel $0x180000  }
0x55: {  	[bflag:$0x0] =	sbarrier.arrive $0xFFFF  }
0x56: {  	p0 =	sne.s32 s1, $0x0;
	_ =	strace $0x9000004A  }
0x57: {  	s0 =	sadd.s32 @!p0 $0x100000, s0;
	[bflag:$0x2] =	sbarrier.arrive $0xFFFF  }
0x58: {  	[sflag:s0] =	ssyncadd.tile.s32 @!p0 $0x1;
	_ =	shalt  }
.Lfunc_end2:
_tile_overlayer_lowered:
.L_overlay_start_2:
0x59: {  	(tag) =	ssettag $0x2  }
0x5a: {  	s0 =	rddreg [dreg:$0x0];
	s2 =	stileid.u32  }
0x5b: {  	s1 =	rddreg [dreg:$0x1];
	p0 =	sne.s32 s2, $0x0  }
0x5c: {  	s3 =	rddreg [dreg:$0x2];
	[bflag:$0x3] =	sbarrier.arrive $0xFFFF;
	s2 =	simm.s32 @!p0 $0x1C02  }
0x5d: {  	[timem:s3], [sflag:s2] =	dma.local @!p0 [hbm:s0], s1  }
0x5e: {  	s0 =	simm.s32 @!p0 $0x2  }
0x5f: {  	_ =	swait.ge @!p0 [sflag:s0], s1  }
0x60: {  	s1 =	ssub.s32 @!p0 $0x0, s1;
	[sflag:s0] =	ssyncset.done @!p0 $0x0  }
0x61: {  	[sflag:s0] =	ssyncadd.s32 @!p0 s1  }
0x62: {  	[bflag:$0x3] =	sbarrier.arrive $0xFFFF  }
0x63: {  	_ =	shalt  }

// kernel: kernel.7.cloned.1.call-start
scs
__scs_entry_jumppad:
0x0: {  	(pc) =	sbr.rel $0x88, $3  }
0x1: {  	(tag) =	ssettag $0x0;
	lr =	simm.s32 $0x1  }
0x2: {  	[smem:$0x3F9E] =	sst lr;
	_ =	strace $0xD0000000  }
0x3: {  	_ = 	snop  }
0x4: {  	_ = 	snop  }
0x5: {  	_ = 	snop  }
0x6: {  	_ = 	snop  }
0x7: {  	_ = 	snop  }
__scs_overlays_trampoline_lowered:
0x8: {  	[smem:$0x3FAD] =	sst s0  }
0x9: {  	[smem:$0x3FAE] =	sst s1  }
0xa: {  	[smem:$0x3FAF] =	sst s2  }
0xb: {  	[smem:$0x3FB0] =	sst s3  }
0xc: {  	[smem:$0x3FB1] =	sst s4  }
0xd: {  	[smem:$0x3FB2] =	sst s5  }
0xe: {  	[smem:$0x3FB3] =	sst s6  }
0xf: {  	[smem:$0x3FB4] =	sst s7  }
0x10: {  	[smem:$0x3FB5] =	sst s8  }
0x11: {  	[smem:$0x3FB6] =	sst s9;
	s0 =	simm.s32 @!p0 $0x0  }
0x12: {  	s1 =	sld [smem:$0x3F9C];
	s0 =	simm.s32 @p0 $0x1  }
0x13: {  	[smem:$0x3FB7] =	sst s0;
	s0 =	simm.s32 @!p1 $0x0  }
0x14: {  	s2 =	sld [smem:$0x3F9B];
	s0 =	simm.s32 @p1 $0x1  }
0x15: {  	[smem:$0x3FB8] =	sst s0;
	s0 =	simm.s32 @!p2 $0x0  }
0x16: {  	s3 =	sld [smem:$0x3FDB];
	s0 =	simm.s32 @p2 $0x1  }
0x17: {  	s4 =	simm.s32 $0x1BF5;
	[smem:$0x3FBA] =	sst s0  }
0x18: {  	s0 =	sld [smem:$0x3F9D];
	_ =	swait.ge [sflag:s4], $0x0  }
0x19: {  	s7 =	sld [smem:$0x3F9E]  }
0x1a: {  	s8 =	sadd.s32 $0xFFFFE003, lr  }
0x1b: {  	s9 =	sadd.s32 $0xFFFFFEF7, lr;
	s5 =	simm.s32 $0xFFFFFFFF;
	p2 =	slt.u32 s8, $0xFFFFF086  }
0x1c: {  	p1 =	slt.u32 s9, $0xF7A;
	s5 =	simm.s32 @!p2 $0x0  }
0x1d: {  	s5 =	simm.s32 @p1 $0x1;
	p0 =	seq.s32 s7, s2  }
0x1e: {  	s7 =	smul.u32 @!p0 $0xF7A, s2;
	p2 =	seq.s32 @!p0 s5, $0x0  }
0x1f: {  	s9 =	smul.u32 $0xF7A, s1;
	s8 =	simm.s32 @!p0 $0x1BF5;
	p2 =	por !p2, p0  }
0x20: {  	[sflag:s8] =	ssyncset.s32 @!p0 $0xFFFFF086;
	s6 =	sadd.s32 @!p0 s3, s7;
	s7 =	simm.s32 @!p0 $0x108  }
0x21: {  	s3 =	sadd.s32 s3, s9;
	s6 =	sadd.s32 @!p0 $0x88, s6;
	s7 =	simm.s32 @p2 $0x1082  }
0x22: {  	[simem:s7], [sflag:s8] =	dma.local @!p0 [hbm:s6], $0xF7A  }
0x23: {  	s9 =	sor.u32 $0xD0000000, s2;
	s6 =	simm.s32 $0x108;
	_ =	swait.ge @!p0 [sflag:s8], $0x0  }
0x24: {  	s3 =	sadd.s32 $0x88, s3;
	s6 =	simm.s32 @!p1 $0x1082;
	[sflag:s4] =	ssyncset.s32 $0xFFFFF086  }
0x25: {  	[simem:s6], [sflag:s4] =	dma.local [hbm:s3], $0xF7A  }
0x26: {  	[smem:$0x3F9E] =	sst s1;
	(tag) =	ssettag s2;
	_ =	strace s9  }
0x27: {  	s1 =	sld [smem:$0x3FAE]  }
0x28: {  	s2 =	sld [smem:$0x3FAF]  }
0x29: {  	s4 =	sld [smem:$0x3FB1]  }
0x2a: {  	p0 =	seq.s32 s5, $0x0;
	s5 =	sld [smem:$0x3FB2]  }
0x2b: {  	s6 =	sld [smem:$0x3FB3]  }
0x2c: {  	s7 =	sld [smem:$0x3FB4]  }
0x2d: {  	s3 =	simm.s32 $0x108;
	s8 =	sld [smem:$0x3FB5]  }
0x2e: {  	s3 =	simm.s32 @!p0 $0x1082;
	s9 =	sld [smem:$0x3FB6]  }
0x2f: {  	lr =	sadd.s32 s0, s3;
	s0 =	sld [smem:$0x3FAD]  }
0x30: {  	s3 =	sld [smem:$0x3FB0]  }
0x31: {  	[smem:$0x3FB9] =	sst s10  }
0x32: {  	s10 =	sld [smem:$0x3FB7];
	_ =	sdelay $0x3  }
0x33: {  	p0 =	seq.s32 s10, $0x1;
	s10 =	sld [smem:$0x3FB9];
	_ =	sdelay $0x3  }
0x34: {  	[smem:$0x3FB9] =	sst s10  }
0x35: {  	s10 =	sld [smem:$0x3FB8];
	_ =	sdelay $0x3  }
0x36: {  	p1 =	seq.s32 s10, $0x1;
	s10 =	sld [smem:$0x3FB9];
	_ =	sdelay $0x3  }
0x37: {  	[smem:$0x3FB9] =	sst s10  }
0x38: {  	s10 =	sld [smem:$0x3FBA]  }
0x39: {  	_ = 	snop;
	(pc) =	sbr.ind lr, $3  }
0x3a: {  	_ = 	snop  }
0x3b: {  	_ = 	snop  }
0x3c: {  	p2 =	seq.s32 s10, $0x1;
	s10 =	sld [smem:$0x3FB9]  }
0x3d: {  	_ =	shalt  }
0x3e: {  	_ =	shalt  }
0x3f: {  	_ =	shalt  }
0x40: {  	_ =	shalt  }
0x41: {  	_ =	shalt  }
0x42: {  	_ =	shalt  }
0x43: {  	_ =	shalt  }
0x44: {  	_ =	shalt  }
0x45: {  	_ =	shalt  }
0x46: {  	_ =	shalt  }
0x47: {  	_ =	shalt  }
0x48: {  	_ =	shalt  }
0x49: {  	_ =	shalt  }
0x4a: {  	_ =	shalt  }
0x4b: {  	_ =	shalt  }
0x4c: {  	_ =	shalt  }
0x4d: {  	_ =	shalt  }
0x4e: {  	_ =	shalt  }
0x4f: {  	_ =	shalt  }
0x50: {  	_ =	shalt  }
0x51: {  	_ =	shalt  }
0x52: {  	_ =	shalt  }
0x53: {  	_ =	shalt  }
0x54: {  	_ =	shalt  }
0x55: {  	_ =	shalt  }
0x56: {  	_ =	shalt  }
0x57: {  	_ =	shalt  }
0x58: {  	_ =	shalt  }
0x59: {  	_ =	shalt  }
0x5a: {  	_ =	shalt  }
0x5b: {  	_ =	shalt  }
0x5c: {  	_ =	shalt  }
0x5d: {  	_ =	shalt  }
0x5e: {  	_ =	shalt  }
0x5f: {  	_ =	shalt  }
0x60: {  	_ =	shalt  }
0x61: {  	_ =	shalt  }
0x62: {  	_ =	shalt  }
0x63: {  	_ =	shalt  }
0x64: {  	_ =	shalt  }
0x65: {  	_ =	shalt  }
0x66: {  	_ =	shalt  }
0x67: {  	_ =	shalt  }
0x68: {  	_ =	shalt  }
0x69: {  	_ =	shalt  }
0x6a: {  	_ =	shalt  }
0x6b: {  	_ =	shalt  }
0x6c: {  	_ =	shalt  }
0x6d: {  	_ =	shalt  }
0x6e: {  	_ =	shalt  }
0x6f: {  	_ =	shalt  }
0x70: {  	_ =	shalt  }
0x71: {  	_ =	shalt  }
0x72: {  	_ =	shalt  }
0x73: {  	_ =	shalt  }
0x74: {  	_ =	shalt  }
0x75: {  	_ =	shalt  }
0x76: {  	_ =	shalt  }
0x77: {  	_ =	shalt  }
0x78: {  	_ =	shalt  }
0x79: {  	_ =	shalt  }
0x7a: {  	_ =	shalt  }
0x7b: {  	_ =	shalt  }
0x7c: {  	_ =	shalt  }
0x7d: {  	_ =	shalt  }
0x7e: {  	_ =	shalt  }
0x7f: {  	_ =	shalt  }
0x80: {  	_ =	shalt  }
0x81: {  	_ =	shalt  }
0x82: {  	_ =	shalt  }
0x83: {  	_ =	shalt  }
0x84: {  	_ =	shalt  }
0x85: {  	_ =	shalt  }
0x86: {  	_ =	shalt  }
0x87: {  	_ =	shalt  }
.Lfunc_end0:
.L_simem_size_0:
called_computation_lowered:
.L_overlay_start_0:
0x88: {  	s2 =	sld [smem:$0x3FD9]  }
0x89: {  	s3 =	sld [smem:$0x3FFE];
	_ =	sdelay $0x1  }
0x8a: {  	s1 =	srdreg.scid  }
0x8b: {  	s0 =	sand.u32 $0x1, s1  }
0x8c: {  	s17 =	sshll.u32 s0, $0xA;
	s2 =	sadd.s32 s3, s2  }
0x8d: {  	s2 =	sadd.s32 s2, s17  }
0x8e: {  	[smem:$0x3FC5] =	sst s2  }
0x8f: {  	_ = 	snop  }
0x90: {  	s2 =	sld [smem:$0x3FD0];
	(tm) =	ssettm $0x1  }
0x91: {  	s18 =	sld [smem:$0x3FFB];
	_ =	sdelay $0x3  }
0x92: {  	_ =	strace s18  }
0x93: {  	s3 =	sld [smem:$0x3FFC];
	_ =	sdelay $0x3  }
0x94: {  	_ =	strace s3  }
0x95: {  	s3 =	sld [smem:$0x3FFD];
	_ =	sdelay $0x3  }
0x96: {  	_ =	strace s3  }
0x97: {  	_ =	strace $0x8FFFFFFF  }
0x98: {  	s19 =	sld [smem:$0x3FDB];
	_ =	sdelay $0x1  }
0x99: {  	s4 =	simm.s32 $_scs_section_size  }
0x9a: {  	s5 =	simm.s32 $_size__tile_overlayer_lowered;
	s6 =	simm.s32 $_tile_overlayer_lowered  }
0x9b: {  	s22 =	simm.s32 $0x1BFF;
	s21 =	sshll.u32 s6, $0x1;
	s3 =	sadd.s32 s4, s19  }
0x9c: {  	s7 =	simm.s32 $0x0;
	s20 =	sshll.u32 s5, $0x1;
	s5 =	sadd.s32 s21, s3  }
0x9d: {  	[timem:s7], [sflag:s22] =	dma.local [hbm:s5], s20  }
0x9e: {  	_ =	swait.ge [sflag:s22], s20  }
0x9f: {  	s4 =	ssub.s32 $0x0, s20;
	[sflag:s22] =	ssyncset.done $0x0  }
0xa0: {  	[sflag:s22] =	ssyncadd.s32 s4;
	_ =	sdelay $0x1  }
0xa1: {  	s23 =	simm.s32 $0x1B8B  }
0xa2: {  	_ =	swait.ge [sflag:s23], $0x1  }
0xa3: {  	[sflag:s23] =	ssyncset.done $0x0  }
0xa4: {  	s25 =	simm.s32 $0x1B8E;
	s24 =	sld [smem:$0x3FFE];
	[sflag:s23] =	ssyncadd.s32 $0xFFFFFFFF  }
0xa5: {  	s26 =	simm.s32 $execute0_lowered;
	[smem:$0x3FD2] =	sst s25  }
0xa6: {  	s5 =	sshll.u32 s26, $0x1;
	_ =	strace $0x80000046;
	[dreg:$0x1] =	wrdreg $0xFFFFFFFF  }
0xa7: {  	s28 =	simm.s32 $_size_execute0_lowered;
	s3 =	sadd.s32 s3, s5;
	[dreg:$0x0] =	wrdreg $0x0  }
0xa8: {  	s5 =	sshll.u32 s28, $0x1;
	[dreg:$0x2] =	wrdreg s3  }
0xa9: {  	[dreg:$0x3] =	wrdreg s5  }
0xaa: {  	[dreg:$0x4] =	wrdreg $0xC0  }
0xab: {  	_ =	task [dreg:s7], $0x5FFFF  }
0xac: {  	[dreg:$0x1] =	wrdreg $0xFFFFFFFF  }
0xad: {  	[dreg:$0x0] =	wrdreg $0x60  }
0xae: {  	[dreg:$0x2] =	wrdreg s24  }
0xaf: {  	[dreg:$0x3] =	wrdreg s2  }
0xb0: {  	[dreg:$0x4] =	wrdreg $0x9  }
0xb1: {  	_ =	task.clear_ibuf [dreg:s7], $0x5FFFF;
	_ =	strace $0x90000046  }
0xb2: {  	s29 =	simm.s32 $0x9;
	_ =	strace $0x80000048  }
0xb3: {  	_ =	swait.ge [sflag:s29], $0x1  }
0xb4: {  	[sflag:s29] =	ssyncadd.s32 $0xFFFFFFFF  }
0xb5: {  	_ =	strace $0x90000048  }
0xb6: {  	_ =	sfence  }
0xb7: {  	s30 =	sld [smem:$0x0];
	_ =	sdelay $0x2  }
0xb8: {  	s31 =	sshll.u32 s1, $0xD;
	s1 =	sshrl.u32 s1, $0x2  }
0xb9: {  	s3 =	sand.u32 $0x4000, s31;
	s1 =	sadd.s32 s1, s30  }
0xba: {  	s0 =	sor.u32 s3, s0;
	s1 =	sshll.u32 s1, $0x11  }
0xbb: {  	s0 =	sor.u32 s1, s0  }
0xbc: {  	s0 =	sadd.s32 $0x8F2B, s0  }
0xbd: {  	[sflag:s0] =	ssyncadd.remote.s32 $0x1  }
0xbe: {  	_ =	sfence.sel $0xFFFF  }
0xbf: {  	[dreg:$0x0] =	wrdreg $0xFFFFFFFF;
	(pc) =	sbr.abs _section_cstart, $3  }
0xc0: {  	[dreg:$0x1] =	wrdreg $0xFFFFFFFF  }
0xc1: {  	_ =	task.clear_ibuf [dreg:s7], $0x2FFFF;
	_ =	strace $0x9FFFFFFF  }
0xc2: {  	(tm) =	ssettm $0x7FFFFFFF  }
0xc3: {  	_ =	shalt  }
tec
execute0_lowered:
.L_overlay_start_1:
0x0: {  	(tag) =	ssettag $0x1  }
0x1: {  	s4 =	rddreg [dreg:$0x0];
	s1 =	srdreg.scid  }
0x2: {  	s0 =	stileid.u32;
	s12 =	rddreg [dreg:$0x1]  }
0x3: {  	s2 =	simm.s32 $0x0;
	s18 =	simm.s32 $0x4200;
	s19 =	simm.s32 $0x80  }
0x4: {  	s21 =	simm.s32 $0x6280;
	s22 =	simm.s32 $0x1;
	s23 =	simm.s32 $0x20  }
0x5: {  	s24 =	simm.s32 $0x61E0;
	s10 =	sand.u32 $0x1, s1;
	s14 =	smul.u32 $0x4200, s0  }
0x6: {  	s3 =	sshll.u32 s0, $0x1;
	s1 =	rddreg [dreg:$0x2];
	s17 =	smul.u32 $0x42000, s0  }
0x7: {  	[smem:$0x7FF] =	sst s2;
	s11 =	sadd.s32 $0x30A800, s4;
	s16 =	smul.u32 $0x2100, s10  }
0x8: {  	s7 =	sor.u32 s10, s3;
	_ =	strace $0x80000047;
	s29 =	smul.u32 $0x21000, s10  }
0x9: {  	s8 =	ssub.s32 $0x2, s10;
	s3 =	sshll.u32 s7, $0x5;
	s26 =	smul.u32 $0x21000, s7  }
0xa: {  	v1 =	vimm.s32 $0x65432100;
	s6 =	sshll.u32 s7, $0xA;
	s25 =	sshrl.u32 s8, $0x1;
	s9 =	smul.u32 $0x2100, s7  }
0xb: {  	v1 =	vunpack.c.l.s4.s8 v1;
	s20 =	sshll.u32 s7, $0xB;
	s5 =	sadd.s32 s3, s4;
	s3 =	sadd.s32 $0x20A800, s4  }
0xc: {  	s6 =	sadd.s32 s6, s4;
	s13 =	ssub.s32 s8, s25;
	s14 =	sadd.s32 s16, s14  }
0xd: {  	v5 =	vunpack.c.0.s8.s32 v1;
	s16 =	simm.s32 $0x2100;
	v1 =	vmov s20;
	s20 =	simm.s32 $0x6200;
	s25 =	simm.s32 $0x0  }
0xe: {  	v0 =	vimm.s32 $0xEDCBA987;
	s4 =	sadd.s32 $0x102800, s6;
	s5 =	sadd.s32 $0x102400, s5;
	s6 =	sadd.s32 $0x2400, s6  }
0xf: {  	v2 =	vimm.s32 $0xFFEDCBA9;
	v3 =	vimm.s32 $0x87654321;
	v0 =	vunpack.c.l.s4.s8 v0;
	s7 =	sadd.s32 s11, s26;
	s28 =	sshrl.u32 s9, $0x3;
	s15 =	sadd.s32 $0x2020, s9  }
0x10: {  	v2 =	vunpack.c.l.s4.s8 v2;
	v3 =	vunpack.c.l.s4.s8 v3;
	s14 =	sor.u32 $0x20, s14;
	s8 =	sadd.s32 s12, s28;
	s9 =	sshll.u32 s15, $0x4  }
0x11: {  	v4 =	vunpack.c.0.s8.s32 v0;
	s30 =	sshrl.u32 s15, $0x3;
	s14 =	sshrl.u32 s14, $0x3;
	s15 =	simm.s32 $0x2000  }
0x12: {  	v0 =	vlaneseq.u32;
	v6 =	vunpack.c.0.s8.s32 v2;
	v7 =	vunpack.c.0.s8.s32 v3;
	s9 =	sadd.s32 s11, s9;
	s11 =	sadd.s32 s17, s11;
	s10 =	sadd.s32 s12, s30  }
0x13: {  	vm0 =	vcmask $0x3F3C;
	v3 =	vor.u32 $0x80000000, v0;
	v4 =	vand.u32 $0xF, v4;
	s12 =	sadd.s32 s14, s12;
	s14 =	simm.s32 $0x2;
	s31 =	sadd.s32 s29, s11  }
0x14: {  	v2 =	vcombine.low v5, v4;
	v4 =	vcombine.low v7, v6;
	v5 =	vadd.s32 $0x1, v0;
	s17 =	simm.s32 $0x2200;
	s11 =	smax.u32 s13, $0x1;
	s13 =	sadd.s32 $0x200, s31  }
.LBB2_1:
0x15: {  	[tilespmem:s2], [sflag:$0x2] =	stream.linear.gather [hbm4b:s4+s2], $0x2000, $0x38;
	[tilespmem:$0xA280] =	vst v63  }
0x16: {  	_ =	swait.ge [sflag:s14], $0x2000  }
0x17: {  	[sflag:s14] =	ssyncset.done $0x0  }
0x18: {  	[sflag:s14] =	ssyncadd.s32 $0xFFFFE000  }
0x19: {  	[tilespmem:s15], [sflag:$0x2] =	stream.linear.gather [hbm4b:s5+s2], $0x100, $0x38;
	[tilespmem:$0xA280] =	vst v63  }
0x1a: {  	_ =	swait.ge [sflag:s14], $0x100  }
0x1b: {  	[sflag:s14] =	ssyncset.done $0x0  }
0x1c: {  	[sflag:s14] =	ssyncadd.s32 $0xFFFFFF00  }
0x1d: {  	v6 =	vld [tilespmem:$0x2000]  }
0x1e: {  	v7 =	vld [tilespmem:$0x2010]  }
0x1f: {  	v8 =	vld [tilespmem:$0x2020]  }
0x20: {  	v9 =	vld [tilespmem:$0x2030]  }
0x21: {  	v10 =	vld [tilespmem:$0x2040]  }
0x22: {  	v11 =	vld [tilespmem:$0x2050];
	(xrf0) =	vadd.scan.msk.s32 $0xffff, v6  }
0x23: {  	v12 =	vld [tilespmem:$0x2060];
	(xrf0) =	vadd.scan.msk.s32 $0xffff, v7  }
0x24: {  	v13 =	vld [tilespmem:$0x2070];
	(xrf0) =	vadd.scan.msk.s32 $0xffff, v8  }
0x25: {  	v14 =	vld [tilespmem:$0x2080];
	(xrf0) =	vadd.scan.msk.s32 $0xffff, v9  }
0x26: {  	v15 =	vld [tilespmem:$0x2090];
	(xrf0) =	vadd.scan.msk.s32 $0xffff, v10  }
0x27: {  	v16 =	vld [tilespmem:$0x20A0];
	(xrf0) =	vadd.scan.msk.s32 $0xffff, v11  }
0x28: {  	v18 =	vld [tilespmem:$0x20B0];
	v17, _, _ =	vpop (xrf0);
	(xrf0) =	vadd.scan.msk.s32 $0xffff, v12  }
0x29: {  	v20 =	vld [tilespmem:$0x20C0];
	(v2sf) =	vpush v17, $0xF;
	v19, _, _ =	vpop (xrf0);
	(xrf0) =	vadd.scan.msk.s32 $0xffff, v13  }
0x2a: {  	v22 =	vld [tilespmem:$0x20D0];
	(v2sf) =	vpush v19, $0xF;
	v21, _, _ =	vpop (xrf0);
	(xrf0) =	vadd.scan.msk.s32 $0xffff, v14  }
0x2b: {  	v24 =	vld [tilespmem:$0x20E0];
	(v2sf) =	vpush v21, $0xF;
	v23, _, _ =	vpop (xrf0);
	(xrf0) =	vadd.scan.msk.s32 $0xffff, v15  }
0x2c: {  	(v2sf) =	vpush v23, $0xF;
	v25, _, _ =	vpop (xrf0);
	(xrf0) =	vadd.scan.msk.s32 $0xffff, v16  }
0x2d: {  	(v2sf) =	vpush v25, $0xF;
	v26, _, _ =	vpop (xrf0);
	(xrf0) =	vadd.scan.msk.s32 $0xffff, v18  }
0x2e: {  	(v2sf) =	vpush v26, $0xF;
	v27, _, _ =	vpop (xrf0);
	(xrf0) =	vadd.scan.msk.s32 $0xffff, v20  }
0x2f: {  	(v2sf) =	vpush v27, $0xF;
	v28, _, _ =	vpop (xrf0);
	(xrf0) =	vadd.scan.msk.s32 $0xffff, v22  }
0x30: {  	(v2sf) =	vpush v28, $0xF;
	v29, _, _ =	vpop (xrf0);
	(xrf0) =	vadd.scan.msk.s32 $0xffff, v24  }
0x31: {  	v30, _, _ =	vpop (xrf0);
	(v2sf) =	vpush v29, $0xF  }
0x32: {  	v31, _, _ =	vpop (xrf0);
	(v2sf) =	vpush v30, $0xF  }
0x33: {  	v32, _, _ =	vpop (xrf0);
	(v2sf) =	vpush v31, $0xF  }
0x34: {  	v33, _, _ =	vpop (xrf0);
	(v2sf) =	vpush v32, $0xF  }
0x35: {  	v34, _, _ =	vpop (xrf0);
	(v2sf) =	vpush v33, $0xF  }
0x36: {  	(v2sf) =	vpush v34, $0xF;
	v35, _, _ =	vpop (xrf0)  }
0x37: {  	v36 =	vbroadcast v17, $0xF;
	(v2sf) =	vpush v35, $0xF  }
0x38: {  	s26 =	spop (v2sf)  }
0x39: {  	v6 =	vsub.s32 v17, v6;
	v7 =	vsub.s32 v36, v7;
	s28 =	spop (v2sf)  }
0x3a: {  	[tilespmem:$0x2100] =	vst v6;
	v6 =	vadd.s32 v19, v7;
	v7 =	vsub.s32 v21, v8;
	s26 =	sadd.s32 s26, s28;
	s28 =	spop (v2sf)  }
0x3b: {  	v8 =	vld [tilespmem:$0x20F0];
	[tilespmem:$0x2110] =	vst v6;
	v6 =	vadd.s32 s26, v7;
	s26 =	sadd.s32 s26, s28;
	s28 =	spop (v2sf);
	v7 =	vsub.s32 v23, v9  }
0x3c: {  	[tilespmem:$0x2120] =	vst v6;
	v6 =	vsub.s32 v25, v10;
	v7 =	vadd.s32 s26, v7;
	s26 =	sadd.s32 s26, s28;
	s28 =	spop (v2sf)  }
0x3d: {  	[tilespmem:$0x2130] =	vst v7;
	v7 =	vsub.s32 v26, v11;
	v6 =	vadd.s32 s26, v6;
	s26 =	sadd.s32 s26, s28;
	s28 =	spop (v2sf)  }
0x3e: {  	[tilespmem:$0x2140] =	vst v6;
	v6 =	vsub.s32 v27, v12;
	v7 =	vadd.s32 s26, v7;
	s26 =	sadd.s32 s26, s28;
	s28 =	spop (v2sf)  }
0x3f: {  	[tilespmem:$0x2150] =	vst v7;
	v7 =	vsub.s32 v28, v13;
	v6 =	vadd.s32 s26, v6;
	s26 =	sadd.s32 s26, s28;
	s28 =	spop (v2sf)  }
0x40: {  	(xrf0) =	vadd.scan.msk.s32 $0xffff, v8;
	[tilespmem:$0x2160] =	vst v6;
	v6 =	vsub.s32 v29, v14;
	v7 =	vadd.s32 s26, v7;
	s26 =	sadd.s32 s26, s28;
	s28 =	spop (v2sf)  }
0x41: {  	[tilespmem:$0x2170] =	vst v7;
	v7 =	vsub.s32 v30, v15;
	v6 =	vadd.s32 s26, v6;
	s26 =	sadd.s32 s26, s28;
	s28 =	spop (v2sf)  }
0x42: {  	[tilespmem:$0x2180] =	vst v6;
	v6 =	vsub.s32 v31, v16;
	v7 =	vadd.s32 s26, v7;
	s26 =	sadd.s32 s26, s28;
	s28 =	spop (v2sf)  }
0x43: {  	[tilespmem:$0x2190] =	vst v7;
	v7 =	vsub.s32 v32, v18;
	v6 =	vadd.s32 s26, v6;
	s26 =	sadd.s32 s26, s28;
	s28 =	spop (v2sf)  }
0x44: {  	[tilespmem:$0x21A0] =	vst v6;
	v6 =	vsub.s32 v33, v20;
	v7 =	vadd.s32 s26, v7;
	s26 =	sadd.s32 s26, s28;
	s28 =	spop (v2sf)  }
0x45: {  	[tilespmem:$0x21B0] =	vst v7;
	v7 =	vsub.s32 v34, v22;
	v6 =	vadd.s32 s26, v6;
	s26 =	sadd.s32 s26, s28;
	s28 =	spop (v2sf)  }
0x46: {  	v61, _, _ =	vpop (xrf0);
	[tilespmem:$0x21C0] =	vst v6;
	v6 =	vadd.s32 s26, v7;
	s26 =	sadd.s32 s26, s28;
	v7 =	vsub.s32 v35, v24;
	s28 =	spop (v2sf)  }
0x47: {  	[tilespmem:$0x21D0] =	vst v6;
	v6 =	vadd.s32 s26, v7;
	s26 =	sadd.s32 s26, s28;
	v7 =	vsub.s32 v61, v8  }
0x48: {  	[tilespmem:$0x21E0] =	vst v6;
	v6 =	vadd.s32 s26, v7  }
0x49: {  	[tilespmem:$0x21F0] =	vst v6  }
0x4a: {  	v6 =	vld [tilespmem:s2+$0x0];
	_ =	sdelay $0x4  }
0x4b: {  	v6 =	vshll.u32 v6, $0x4  }
0x4c: {  	v7 =	vor.u32 s2, v0;
	v6 =	vxor.u32 v3, v6  }
0x4d: {  	(xrf1) =	vsort.ascd.msk.u32 $0xffff, v6, v7;
	_ =	sdelay $0xd  }
0x4e: {  	v6, v7, _ =	vpop (xrf1)  }
0x4f: {  	v6 =	vshra.s32 v6, $0x4  }
0x50: {  	v6 =	vxor.u32 $0xF8000000, v6  }
0x51: {  	v8 =	vperm.xlane v6, v2;
	_ =	sdelay $0x1  }
0x52: {  	vm1 =	veq.s32 v6, v8  }
0x53: {  	v8 =	vsel vm1, $0x80000000, v3  }
0x54: {  	(xrf0) =	vmax.scan.msk.u32 $0xffff, v8;
	_ =	sdelay $0x2  }
0x55: {  	v8 =	vld.idx.msk [tilespmem:v6+s16+$0x0], $0xffff;
	_ =	sdelay $0x2  }
0x56: {  	v62, _, _ =	vpop (xrf0)  }
0x57: {  	v63 =	vperm.xlane v6, v4;
	v9 =	vxor.u32 $0x80000000, v62  }
0x58: {  	v8 =	vsub.s32 v8, v9  }
0x59: {  	vm1 =	vne.s32 v6, v63;
	v9 =	vadd.s32 v0, v8  }
0x5a: {  	vm1 =	vmor vm1, vm0;
	_ =	sdelay $0x2  }
0x5b: {  	[tilespmem:v7+s17+$0x0] =	vst.idx.msk $0xffff, v9;
	v7 =	vand.u32 $0x7FF, v7  }
0x5c: {  	s28 =	simm.s32 $0x0;
	s26 =	simm.s32 $0x10;
	[tilespmem:v9+s18+$0x0] =	vst.idx.msk $0xffff, v7;
	v7 =	vadd.s32 v5, v8  }
.LBB2_2:
0x5d: {  	p0 =	sne.s32 s26, $0x1FF0  }
0x5e: {  	[tilespmem:v6+s16+$0x0] =	vst.idx.msk vm1, v7;
	s28 =	sadd.s32 $0x10, s28;
	s29 =	smov.u32 s26;
	s26 =	sadd.s32 $0x10, s26  }
0x5f: {  	v6 =	vld [tilespmem:s28+$0x0];
	_ =	sdelay $0x4  }
0x60: {  	v6 =	vshll.u32 v6, $0x4  }
0x61: {  	v7 =	vor.u32 s29, v0;
	v6 =	vxor.u32 v3, v6  }
0x62: {  	(xrf1) =	vsort.ascd.msk.u32 $0xffff, v6, v7;
	_ =	sdelay $0xd  }
0x63: {  	v6, v7, _ =	vpop (xrf1)  }
0x64: {  	v6 =	vshra.s32 v6, $0x4  }
0x65: {  	v6 =	vxor.u32 $0xF8000000, v6  }
0x66: {  	v8 =	vperm.xlane v6, v2;
	v9 =	vperm.xlane v6, v4;
	_ =	sdelay $0x1  }
0x67: {  	vm1 =	veq.s32 v6, v8;
	vm2 =	vne.s32 v6, v9  }
0x68: {  	v8 =	vsel vm1, $0x80000000, v3  }
0x69: {  	(xrf0) =	vmax.scan.msk.u32 $0xffff, v8;
	_ =	sdelay $0x1  }
0x6a: {  	v8 =	vld.idx.msk [tilespmem:v6+s16+$0x0], $0xffff;
	_ =	sdelay $0x3  }
0x6b: {  	v9, _, _ =	vpop (xrf0)  }
0x6c: {  	v9 =	vxor.u32 $0x80000000, v9  }
0x6d: {  	v8 =	vsub.s32 v8, v9  }
0x6e: {  	vm1 =	vmor vm2, vm0;
	v9 =	vadd.s32 v0, v8  }
.Ltmp0:
0x6f: {  	[tilespmem:v7+s17+$0x0] =	vst.idx.msk $0xffff, v9;
	(pc) =	sbr.rel @p0 .LBB2_2-.Ltmp0, $3  }
0x70: {  	_ =	sdelay $0x1  }
0x71: {  	v7 =	vand.u32 $0x7FF, v7  }
0x72: {  	[tilespmem:v9+s18+$0x0] =	vst.idx.msk $0xffff, v7;
	v7 =	vadd.s32 v5, v8  }
0x73: {  	_ =	sdelay $0x4  }
0x74: {  	[tilespmem:v6+s16+$0x0] =	vst.idx.msk vm1, v7;
	s26 =	simm.s32 $0x0  }
0x75: {  	[hbm4b:s6+s26] =	stream.linear.scatter [tilespmem:s17], [sflag:$0x2], $0x2000, $0x38;
	[tilespmem:$0xA280] =	vst v63  }
0x76: {  	_ =	swait.ge [sflag:s14], $0x2000  }
0x77: {  	[sflag:s14] =	ssyncset.done $0x0  }
0x78: {  	s26 =	simm.s32 $0x4200;
	[sflag:s14] =	ssyncadd.s32 $0xFFFFE000  }
0x79: {  	v6 =	vld [tilespmem:s26+$0x0];
	_ =	sdelay $0x4  }
0x7a: {  	v6 =	vadd.s32 v1, v6  }
0x7b: {  	[tilespmem:$0x6200] =	vst v6  }
0x7c: {  	v6 =	vld [tilespmem:s26+$0x10];
	_ =	sdelay $0x4  }
0x7d: {  	v6 =	vadd.s32 v1, v6  }
0x7e: {  	[tilespmem:$0x6210] =	vst v6  }
0x7f: {  	v6 =	vld [tilespmem:s26+$0x20];
	_ =	sdelay $0x4  }
0x80: {  	v6 =	vadd.s32 v1, v6  }
0x81: {  	[tilespmem:$0x6220] =	vst v6  }
0x82: {  	v6 =	vld [tilespmem:s26+$0x30];
	_ =	sdelay $0x4  }
0x83: {  	v6 =	vadd.s32 v1, v6  }
0x84: {  	[tilespmem:$0x6230] =	vst v6  }
0x85: {  	v6 =	vld [tilespmem:s26+$0x40];
	_ =	sdelay $0x4  }
0x86: {  	v6 =	vadd.s32 v1, v6  }
0x87: {  	[tilespmem:$0x6240] =	vst v6  }
0x88: {  	v6 =	vld [tilespmem:s26+$0x50];
	_ =	sdelay $0x4  }
0x89: {  	v6 =	vadd.s32 v1, v6  }
0x8a: {  	[tilespmem:$0x6250] =	vst v6  }
0x8b: {  	v6 =	vld [tilespmem:s26+$0x60];
	_ =	sdelay $0x4  }
0x8c: {  	v6 =	vadd.s32 v1, v6  }
0x8d: {  	[tilespmem:$0x6260] =	vst v6  }
0x8e: {  	v6 =	vld [tilespmem:s26+$0x70];
	_ =	sdelay $0x4  }
0x8f: {  	v6 =	vadd.s32 v1, v6  }
0x90: {  	[tilespmem:$0x6270] =	vst v6  }
0x91: {  	[tilespmem:s21], [sflag:$0x1] =	stream.indirect.gather [hbm4b:s3+s19], $0x80, s20, s19, $0xb8;
	[tilespmem:$0xA280] =	vst v63  }
0x92: {  	_ =	swait.ge [sflag:s22], $0x4000  }
0x93: {  	[sflag:s22] =	ssyncset.done $0x0  }
0x94: {  	[sflag:s22] =	ssyncadd.s32 $0xFFFFC000  }
0x95: {  	[hbm4b:s13+s2] =	stream.linear.scatter [tilespmem:s21], [sflag:$0x2], $0x4000, $0x38;
	[tilespmem:$0xA280] =	vst v63  }
0x96: {  	_ =	swait.ge [sflag:s14], $0x4000  }
0x97: {  	[sflag:s14] =	ssyncset.done $0x0  }
0x98: {  	s28 =	sadd.s32 $0x0, s12;
	[sflag:s14] =	ssyncadd.s32 $0xFFFFC000  }
0x99: {  	[hbm4b:s28+s2] =	stream.linear.scatter [tilespmem:s26], [sflag:$0x2], $0x80, $0x38;
	[tilespmem:$0xA280] =	vst v63  }
0x9a: {  	_ =	swait.ge [sflag:s14], $0x80  }
0x9b: {  	s29 =	smov.u32 s13;
	s28 =	simm.s32 $0x10;
	[sflag:s14] =	ssyncset.done $0x0  }
.LBB2_4:
0x9c: {  	[sflag:s14] =	ssyncadd.s32 $0xFFFFFF80;
	s26 =	sadd.s32 $0x80, s26;
	s29 =	sadd.s32 $0x800, s29  }
0x9d: {  	p0 =	sne.s32 s28, $0x3F0;
	s30 =	smov.u32 s28;
	s28 =	sadd.s32 $0x10, s28;
	v6 =	vld [tilespmem:s26+$0x0]  }
0x9e: {  	_ =	sdelay $0x3  }
0x9f: {  	v6 =	vadd.s32 v1, v6  }
0xa0: {  	[tilespmem:$0x6200] =	vst v6  }
0xa1: {  	v6 =	vld [tilespmem:s26+$0x10];
	_ =	sdelay $0x4  }
0xa2: {  	v6 =	vadd.s32 v1, v6  }
0xa3: {  	[tilespmem:$0x6210] =	vst v6  }
0xa4: {  	v6 =	vld [tilespmem:s26+$0x20];
	_ =	sdelay $0x4  }
0xa5: {  	v6 =	vadd.s32 v1, v6  }
0xa6: {  	[tilespmem:$0x6220] =	vst v6  }
0xa7: {  	v6 =	vld [tilespmem:s26+$0x30];
	_ =	sdelay $0x4  }
0xa8: {  	v6 =	vadd.s32 v1, v6  }
0xa9: {  	[tilespmem:$0x6230] =	vst v6  }
0xaa: {  	v6 =	vld [tilespmem:s26+$0x40];
	_ =	sdelay $0x4  }
0xab: {  	v6 =	vadd.s32 v1, v6  }
0xac: {  	[tilespmem:$0x6240] =	vst v6  }
0xad: {  	v6 =	vld [tilespmem:s26+$0x50];
	_ =	sdelay $0x4  }
0xae: {  	v6 =	vadd.s32 v1, v6  }
0xaf: {  	[tilespmem:$0x6250] =	vst v6  }
0xb0: {  	v6 =	vld [tilespmem:s26+$0x60];
	_ =	sdelay $0x4  }
0xb1: {  	v6 =	vadd.s32 v1, v6  }
0xb2: {  	[tilespmem:$0x6260] =	vst v6  }
0xb3: {  	v6 =	vld [tilespmem:s26+$0x70];
	_ =	sdelay $0x4  }
0xb4: {  	v6 =	vadd.s32 v1, v6  }
0xb5: {  	[tilespmem:$0x6270] =	vst v6  }
0xb6: {  	[tilespmem:s21], [sflag:$0x1] =	stream.indirect.gather [hbm4b:s3+s19], $0x80, s20, s19, $0xb8;
	[tilespmem:$0xA280] =	vst v63  }
0xb7: {  	_ =	swait.ge [sflag:s22], $0x4000  }
0xb8: {  	[sflag:s22] =	ssyncset.done $0x0  }
0xb9: {  	[sflag:s22] =	ssyncadd.s32 $0xFFFFC000  }
0xba: {  	[hbm4b:s29+s2] =	stream.linear.scatter [tilespmem:s21], [sflag:$0x2], $0x4000, $0x38;
	[tilespmem:$0xA280] =	vst v63  }
0xbb: {  	_ =	swait.ge [sflag:s14], $0x4000  }
.Ltmp1:
0xbc: {  	[sflag:s14] =	ssyncset.done $0x0;
	(pc) =	sbr.rel @p0 .LBB2_4-.Ltmp1, $4  }
0xbd: {  	s30 =	sadd.s32 s30, s12;
	[sflag:s14] =	ssyncadd.s32 $0xFFFFC000  }
0xbe: {  	[hbm4b:s30+s2] =	stream.linear.scatter [tilespmem:s26], [sflag:$0x2], $0x80, $0x38;
	[tilespmem:$0xA280] =	vst v63  }
0xbf: {  	_ =	swait.ge [sflag:s14], $0x80  }
0xc0: {  	[sflag:s14] =	ssyncset.done $0x0  }
0xc1: {  	[sflag:s14] =	ssyncadd.s32 $0xFFFFFF80  }
0xc2: {  	v6 =	vld [tilespmem:$0x61E0]  }
0xc3: {  	v7 =	vld [tilespmem:$0x61F0];
	_ =	sdelay $0x3  }
0xc4: {  	v6 =	vadd.s32 v1, v6  }
0xc5: {  	[tilespmem:$0x6200] =	vst v6;
	v6 =	vadd.s32 v1, v7  }
0xc6: {  	[tilespmem:$0x6210] =	vst v6  }
0xc7: {  	[tilespmem:s21], [sflag:$0x1] =	stream.indirect.gather [hbm4b:s3+s23], $0x80, s20, s23, $0xb8;
	[tilespmem:$0xA280] =	vst v63  }
0xc8: {  	_ =	swait.ge [sflag:s22], $0x1000  }
0xc9: {  	[sflag:s22] =	ssyncset.done $0x0  }
0xca: {  	[sflag:s22] =	ssyncadd.s32 $0xFFFFF000  }
0xcb: {  	[hbm4b:s7+s2] =	stream.linear.scatter [tilespmem:s21], [sflag:$0x2], $0x1000, $0x38;
	[tilespmem:$0xA280] =	vst v63  }
0xcc: {  	_ =	swait.ge [sflag:s14], $0x1000  }
0xcd: {  	[sflag:s14] =	ssyncset.done $0x0  }
0xce: {  	[sflag:s14] =	ssyncadd.s32 $0xFFFFF000  }
0xcf: {  	[hbm4b:s8+s2] =	stream.linear.scatter [tilespmem:s24], [sflag:$0x2], $0x20, $0x38;
	[tilespmem:$0xA280] =	vst v63  }
0xd0: {  	_ =	swait.ge [sflag:s14], $0x20  }
0xd1: {  	[sflag:s14] =	ssyncset.done $0x0  }
0xd2: {  	[sflag:s14] =	ssyncadd.s32 $0xFFFFFFE0  }
0xd3: {  	v6 =	vld [tilespmem:$0x4200]  }
0xd4: {  	v7 =	vld [tilespmem:$0x4210];
	_ =	sdelay $0x3  }
0xd5: {  	v6 =	vadd.s32 v1, v6  }
0xd6: {  	[tilespmem:$0x6200] =	vst v6;
	v6 =	vadd.s32 v1, v7  }
0xd7: {  	[tilespmem:$0x6210] =	vst v6  }
0xd8: {  	[tilespmem:s21], [sflag:$0x1] =	stream.indirect.gather [hbm4b:s3+s23], $0x80, s20, s23, $0xb8;
	[tilespmem:$0xA280] =	vst v63  }
0xd9: {  	_ =	swait.ge [sflag:s22], $0x1000  }
0xda: {  	[sflag:s22] =	ssyncset.done $0x0  }
0xdb: {  	[sflag:s22] =	ssyncadd.s32 $0xFFFFF000  }
0xdc: {  	[hbm4b:s9+s2] =	stream.linear.scatter [tilespmem:s21], [sflag:$0x2], $0x1000, $0x38;
	[tilespmem:$0xA280] =	vst v63  }
0xdd: {  	s25 =	sadd.s32 $0x1, s25;
	_ =	swait.ge [sflag:s14], $0x1000  }
0xde: {  	p0 =	sne.s32 s25, s11;
	[sflag:s14] =	ssyncset.done $0x0  }
.Ltmp2:
0xdf: {  	[sflag:s14] =	ssyncadd.s32 $0xFFFFF000;
	(pc) =	sbr.rel @p0 .LBB2_1-.Ltmp2, $4  }
0xe0: {  	[hbm4b:s10+s2] =	stream.linear.scatter [tilespmem:s18], [sflag:$0x2], $0x20, $0x38;
	[tilespmem:$0xA280] =	vst v63  }
0xe1: {  	_ =	swait.ge [sflag:s14], $0x20  }
0xe2: {  	[sflag:s14] =	ssyncset.done $0x0  }
0xe3: {  	[sflag:s14] =	ssyncadd.s32 $0xFFFFFFE0  }
0xe4: {  	_ =	sfence.sel $0x180000  }
0xe5: {  	[bflag:$0x0] =	sbarrier.arrive $0xFFFF  }
0xe6: {  	p0 =	sne.s32 s0, $0x0;
	_ =	strace $0x90000047  }
0xe7: {  	s0 =	sadd.s32 @!p0 $0x100000, s1;
	[bflag:$0x2] =	sbarrier.arrive $0xFFFF  }
0xe8: {  	[sflag:s0] =	ssyncadd.tile.s32 @!p0 $0x1;
	_ =	shalt  }
.Lfunc_end2:
_tile_overlayer_lowered:
.L_overlay_start_2:
0xe9: {  	(tag) =	ssettag $0x2  }
0xea: {  	s0 =	rddreg [dreg:$0x0];
	s2 =	stileid.u32  }
0xeb: {  	s1 =	rddreg [dreg:$0x1];
	p0 =	sne.s32 s2, $0x0  }
0xec: {  	s3 =	rddreg [dreg:$0x2];
	[bflag:$0x3] =	sbarrier.arrive $0xFFFF;
	s2 =	simm.s32 @!p0 $0x1C02  }
0xed: {  	[timem:s3], [sflag:s2] =	dma.local @!p0 [hbm:s0], s1  }
0xee: {  	s0 =	simm.s32 @!p0 $0x2  }
0xef: {  	_ =	swait.ge @!p0 [sflag:s0], s1  }
0xf0: {  	s1 =	ssub.s32 @!p0 $0x0, s1;
	[sflag:s0] =	ssyncset.done @!p0 $0x0  }
0xf1: {  	[sflag:s0] =	ssyncadd.s32 @!p0 s1  }
0xf2: {  	[bflag:$0x3] =	sbarrier.arrive $0xFFFF  }
0xf3: {  	_ =	shalt  }

</sc_bundles>
